<compile_context>
chip_gen: v7x
topology: tpu7x:2x2x1
jax: 0.10.2.dev20260603
libtpu: 0.0.44.dev20260713+nightly
codegen_flags: <defaults>
</compile_context>

<pallas_src>
import functools
import math

import jax
import jax.numpy as jnp
from jax import lax
from jax.experimental import pallas as pl
from jax.experimental.pallas import tpu as pltpu
from jax.experimental.pallas import tpu_sc as plsc

_VOCAB = 100000
_D = 128
_B = 4096
_L = 50
_NC = 2
_NS = 16
_NW = _NC * _NS
_BPW = _B // _NW
_NCH = _L
_NBUF = 5
_LAG = 1
_SCALE = math.sqrt(float(_D))


def _emb_kernel(idx_hbm, table_hbm, out_hbm, idx_v, *scratch):
    rows = scratch[:_NBUF]
    gsem = scratch[_NBUF:2 * _NBUF]
    ssem = scratch[2 * _NBUF:3 * _NBUF]

    wid = lax.axis_index("s") * _NC + lax.axis_index("c")
    b0 = wid * _BPW

    pltpu.sync_copy(idx_hbm.at[pl.ds(0, _L), pl.ds(b0, _BPW)], idx_v)

    def start_gather(l, b):
        pltpu.async_copy(table_hbm.at[idx_v.at[l]], rows[b], gsem[b])

    def out_slice(l):
        return out_hbm.at[l, pl.ds(b0, _BPW)]

    for b in range(_NBUF):
        start_gather(b, b)

    def outer(g, carry):
        for b in range(_NBUF):
            l = g * _NBUF + b
            pltpu.make_async_copy(
                table_hbm.at[idx_v.at[0]], rows[b], gsem[b]
            ).wait()

            def scale_row(r, c2, _b=b):
                for c in range(_D // 16):
                    rows[_b][r, pl.ds(c * 16, 16)] = (
                        rows[_b][r, pl.ds(c * 16, 16)] * _SCALE
                    )
                return c2

            lax.fori_loop(0, _BPW, scale_row, 0, unroll=False)

            pltpu.async_copy(rows[b], out_slice(l), ssem[b])

            lr = l - _LAG
            br = (b - _LAG) % _NBUF
            cond = (lr >= 0) & (lr < _NCH - _NBUF)

            @pl.when(cond)
            def _(lr=lr, br=br):
                pltpu.make_async_copy(rows[br], out_slice(lr), ssem[br]).wait()
                start_gather(lr + _NBUF, br)
        return carry

    lax.fori_loop(0, _NCH // _NBUF, outer, 0, unroll=False)

    for b in range(_NBUF):
        pltpu.make_async_copy(rows[b], out_slice(0), ssem[b]).wait()


@jax.jit
def _run(x_t, table):
    mesh = plsc.VectorSubcoreMesh(core_axis_name="c", subcore_axis_name="s")
    f = functools.partial(
        pl.kernel,
        out_type=jax.ShapeDtypeStruct((_L, _B, _D), jnp.float32),
        mesh=mesh,
        scratch_types=[pltpu.VMEM((_L, _BPW), jnp.int32)]
        + [pltpu.VMEM((_BPW, _D), jnp.float32) for _ in range(_NBUF)]
        + [pltpu.SemaphoreType.DMA for _ in range(2 * _NBUF)],
    )(_emb_kernel)
    return f(x_t, table)


def kernel(x, table):
    out_lbd = _run(x.T, table)
    return jnp.transpose(out_lbd, (1, 0, 2))

# --- scband reference (transcript-rebuilt; emitter-appended) ---
"""Pipeline reference for scband-token-embedding-51453708206103 (READ-ONLY COPY).

The authoritative reference and input builder live on the scoring server;
editing this copy changes nothing except your own understanding.
"""

import math
import jax, jax.numpy as jnp
import numpy as np

VOCAB = 100000
D_MODEL = 128
B = 4096
L = 50

def setup_inputs(seed: int = 0) -> dict:
    key = jax.random.key(seed)
    k_idx, k_tab = jax.random.split(key)
    x = jax.random.randint(k_idx, (B, L), 0, VOCAB, dtype=jnp.int32)
    # embedding table, initialized like nn.Embedding (N(0,1))
    table = jax.random.normal(k_tab, (VOCAB, D_MODEL), dtype=jnp.float32)
    return {"x": x, "table": table}

def reference(x, table):
    # TokenEmbedding.forward: embedding lookup scaled by sqrt(d_model)
    emb = jnp.take(table, x, axis=0)
    return emb * math.sqrt(D_MODEL)

if __name__ == "__main__":
    import jax
    _d = setup_inputs()
    print(jax.jit(kernel)(*tuple(_d.values())))

</pallas_src>

<mosaic_0001>
#map = affine_map<(d0, d1) -> (0, 0)>
#map1 = affine_map<(d0, d1) -> (0, 0, 0)>
module attributes {stable_mosaic.version = 14 : i64} {
  func.func @_emb_kernel(%arg0: i32, %arg1: i32, %arg2: memref<50x4096xi32, #tpu.memory_space<hbm>>, %arg3: memref<100000x128xf32, #tpu.memory_space<hbm>>, %arg4: memref<50x4096x128xf32, #tpu.memory_space<hbm>>, %arg5: memref<50x128xi32, #tpu.memory_space<vmem>>, %arg6: memref<128x128xf32, #tpu.memory_space<vmem>>, %arg7: memref<128x128xf32, #tpu.memory_space<vmem>>, %arg8: memref<128x128xf32, #tpu.memory_space<vmem>>, %arg9: memref<128x128xf32, #tpu.memory_space<vmem>>, %arg10: memref<128x128xf32, #tpu.memory_space<vmem>>, %arg11: memref<!tpu.dma_semaphore, #tpu.memory_space<semaphore_mem>>, %arg12: memref<!tpu.dma_semaphore, #tpu.memory_space<semaphore_mem>>, %arg13: memref<!tpu.dma_semaphore, #tpu.memory_space<semaphore_mem>>, %arg14: memref<!tpu.dma_semaphore, #tpu.memory_space<semaphore_mem>>, %arg15: memref<!tpu.dma_semaphore, #tpu.memory_space<semaphore_mem>>, %arg16: memref<!tpu.dma_semaphore, #tpu.memory_space<semaphore_mem>>, %arg17: memref<!tpu.dma_semaphore, #tpu.memory_space<semaphore_mem>>, %arg18: memref<!tpu.dma_semaphore, #tpu.memory_space<semaphore_mem>>, %arg19: memref<!tpu.dma_semaphore, #tpu.memory_space<semaphore_mem>>, %arg20: memref<!tpu.dma_semaphore, #tpu.memory_space<semaphore_mem>>) attributes {dimension_semantics = [#tpu.dimension_semantics<core_parallel>, #tpu.dimension_semantics<subcore_parallel>], iteration_bounds = array<i64: 2, 16>, scalar_prefetch = 0 : i64, scratch_operands = 16 : i64, tpu.core_type = #tpu.core_type<sc_vector_subcore>, window_params = [{transform_indices = #map}, {transform_indices = #map}, {transform_indices = #map1}]} {
    %mul3A = arith.constant 2 : i32
    %mul3A_0 = arith.muli %arg1, %mul3A : i32
    %add3A = arith.addi %mul3A_0, %arg0 : i32
    %mul3A_1 = arith.constant 128 : i32
    %mul3A_2 = arith.muli %add3A, %mul3A_1 : i32
    "tpu.region"() ({
      %run_scoped3A = tpu.sem_alloc : memref<!tpu.dma_semaphore, #tpu.memory_space<semaphore_mem>>
      %dma_start3A_76 = arith.constant 0 : i32
      %dma_start3A_77 = tpu.memref_slice %arg2[%dma_start3A_76, %mul3A_2] : memref<50x4096xi32, #tpu.memory_space<hbm>> -> memref<50x128xi32, #tpu.memory_space<hbm>>
      %dma_start3A_78 = arith.constant 0 : i32
      %dma_start3A_79 = tpu.memref_slice %arg2[%dma_start3A_78, %mul3A_2] : memref<50x4096xi32, #tpu.memory_space<hbm>> -> memref<50x128xi32, #tpu.memory_space<hbm>>
      tpu.enqueue_dma source(%dma_start3A_79 : memref<50x128xi32, #tpu.memory_space<hbm>>) target(%arg5 : memref<50x128xi32, #tpu.memory_space<vmem>>) target_semaphore(%run_scoped3A : memref<!tpu.dma_semaphore, #tpu.memory_space<semaphore_mem>>)
      %dma_wait3A_80 = arith.constant 0 : i32
      %dma_wait3A_81 = tpu.memref_slice %arg2[%dma_wait3A_80, %mul3A_2] : memref<50x4096xi32, #tpu.memory_space<hbm>> -> memref<50x128xi32, #tpu.memory_space<hbm>>
      %dma_wait3A_82 = arith.constant 0 : i32
      %dma_wait3A_83 = tpu.memref_slice %arg2[%dma_wait3A_82, %mul3A_2] : memref<50x4096xi32, #tpu.memory_space<hbm>> -> memref<50x128xi32, #tpu.memory_space<hbm>>
      tpu.wait_dma2 semaphore(%run_scoped3A : memref<!tpu.dma_semaphore, #tpu.memory_space<semaphore_mem>>) src(%dma_wait3A_83 : memref<50x128xi32, #tpu.memory_space<hbm>>) dst(%arg5 : memref<50x128xi32, #tpu.memory_space<vmem>>)
      tpu.yield
    }) : () -> ()
    %dma_start3A = arith.constant 0 : i32
    %dma_start3A_3 = arith.constant 0 : i32
    %dma_start3A_4 = tpu.memref_slice %arg5[%dma_start3A, %dma_start3A_3] : memref<50x128xi32, #tpu.memory_space<vmem>> -> memref<1x128xi32, #tpu.memory_space<vmem>>
    %dma_start3A_5 = tpu.memref_squeeze %dma_start3A_4 : memref<1x128xi32, #tpu.memory_space<vmem>> -> memref<128xi32, #tpu.memory_space<vmem>>
    %dma_start3A_6 = arith.constant 0 : i32
    %dma_start3A_7 = arith.constant 0 : i32
    %dma_start3A_8 = tpu.memref_slice %arg3[%dma_start3A_6, %dma_start3A_7] : memref<100000x128xf32, #tpu.memory_space<hbm>> -> memref<100000x128xf32, #tpu.memory_space<hbm>>
    tpu.enqueue_indirect_dma source(%dma_start3A_8 : memref<100000x128xf32, #tpu.memory_space<hbm>>) target(%arg6 : memref<128x128xf32, #tpu.memory_space<vmem>>) offsets(%dma_start3A_5 : memref<128xi32, #tpu.memory_space<vmem>>) semaphore(%arg11 : memref<!tpu.dma_semaphore, #tpu.memory_space<semaphore_mem>>)
    %dma_start3A_9 = arith.constant 1 : i32
    %dma_start3A_10 = arith.constant 0 : i32
    %dma_start3A_11 = tpu.memref_slice %arg5[%dma_start3A_9, %dma_start3A_10] : memref<50x128xi32, #tpu.memory_space<vmem>> -> memref<1x128xi32, #tpu.memory_space<vmem>>
    %dma_start3A_12 = tpu.memref_squeeze %dma_start3A_11 : memref<1x128xi32, #tpu.memory_space<vmem>> -> memref<128xi32, #tpu.memory_space<vmem>>
    %dma_start3A_13 = arith.constant 0 : i32
    %dma_start3A_14 = arith.constant 0 : i32
    %dma_start3A_15 = tpu.memref_slice %arg3[%dma_start3A_13, %dma_start3A_14] : memref<100000x128xf32, #tpu.memory_space<hbm>> -> memref<100000x128xf32, #tpu.memory_space<hbm>>
    tpu.enqueue_indirect_dma source(%dma_start3A_15 : memref<100000x128xf32, #tpu.memory_space<hbm>>) target(%arg7 : memref<128x128xf32, #tpu.memory_space<vmem>>) offsets(%dma_start3A_12 : memref<128xi32, #tpu.memory_space<vmem>>) semaphore(%arg12 : memref<!tpu.dma_semaphore, #tpu.memory_space<semaphore_mem>>)
    %dma_start3A_16 = arith.constant 2 : i32
    %dma_start3A_17 = arith.constant 0 : i32
    %dma_start3A_18 = tpu.memref_slice %arg5[%dma_start3A_16, %dma_start3A_17] : memref<50x128xi32, #tpu.memory_space<vmem>> -> memref<1x128xi32, #tpu.memory_space<vmem>>
    %dma_start3A_19 = tpu.memref_squeeze %dma_start3A_18 : memref<1x128xi32, #tpu.memory_space<vmem>> -> memref<128xi32, #tpu.memory_space<vmem>>
    %dma_start3A_20 = arith.constant 0 : i32
    %dma_start3A_21 = arith.constant 0 : i32
    %dma_start3A_22 = tpu.memref_slice %arg3[%dma_start3A_20, %dma_start3A_21] : memref<100000x128xf32, #tpu.memory_space<hbm>> -> memref<100000x128xf32, #tpu.memory_space<hbm>>
    tpu.enqueue_indirect_dma source(%dma_start3A_22 : memref<100000x128xf32, #tpu.memory_space<hbm>>) target(%arg8 : memref<128x128xf32, #tpu.memory_space<vmem>>) offsets(%dma_start3A_19 : memref<128xi32, #tpu.memory_space<vmem>>) semaphore(%arg13 : memref<!tpu.dma_semaphore, #tpu.memory_space<semaphore_mem>>)
    %dma_start3A_23 = arith.constant 3 : i32
    %dma_start3A_24 = arith.constant 0 : i32
    %dma_start3A_25 = tpu.memref_slice %arg5[%dma_start3A_23, %dma_start3A_24] : memref<50x128xi32, #tpu.memory_space<vmem>> -> memref<1x128xi32, #tpu.memory_space<vmem>>
    %dma_start3A_26 = tpu.memref_squeeze %dma_start3A_25 : memref<1x128xi32, #tpu.memory_space<vmem>> -> memref<128xi32, #tpu.memory_space<vmem>>
    %dma_start3A_27 = arith.constant 0 : i32
    %dma_start3A_28 = arith.constant 0 : i32
    %dma_start3A_29 = tpu.memref_slice %arg3[%dma_start3A_27, %dma_start3A_28] : memref<100000x128xf32, #tpu.memory_space<hbm>> -> memref<100000x128xf32, #tpu.memory_space<hbm>>
    tpu.enqueue_indirect_dma source(%dma_start3A_29 : memref<100000x128xf32, #tpu.memory_space<hbm>>) target(%arg9 : memref<128x128xf32, #tpu.memory_space<vmem>>) offsets(%dma_start3A_26 : memref<128xi32, #tpu.memory_space<vmem>>) semaphore(%arg14 : memref<!tpu.dma_semaphore, #tpu.memory_space<semaphore_mem>>)
    %dma_start3A_30 = arith.constant 4 : i32
    %dma_start3A_31 = arith.constant 0 : i32
    %dma_start3A_32 = tpu.memref_slice %arg5[%dma_start3A_30, %dma_start3A_31] : memref<50x128xi32, #tpu.memory_space<vmem>> -> memref<1x128xi32, #tpu.memory_space<vmem>>
    %dma_start3A_33 = tpu.memref_squeeze %dma_start3A_32 : memref<1x128xi32, #tpu.memory_space<vmem>> -> memref<128xi32, #tpu.memory_space<vmem>>
    %dma_start3A_34 = arith.constant 0 : i32
    %dma_start3A_35 = arith.constant 0 : i32
    %dma_start3A_36 = tpu.memref_slice %arg3[%dma_start3A_34, %dma_start3A_35] : memref<100000x128xf32, #tpu.memory_space<hbm>> -> memref<100000x128xf32, #tpu.memory_space<hbm>>
    tpu.enqueue_indirect_dma source(%dma_start3A_36 : memref<100000x128xf32, #tpu.memory_space<hbm>>) target(%arg10 : memref<128x128xf32, #tpu.memory_space<vmem>>) offsets(%dma_start3A_33 : memref<128xi32, #tpu.memory_space<vmem>>) semaphore(%arg15 : memref<!tpu.dma_semaphore, #tpu.memory_space<semaphore_mem>>)
    %scan3A = arith.constant 0 : i32
    %scan3A_37 = arith.constant 0 : i32
    %scan3A_38 = arith.constant 10 : i32
    %scan3A_39 = arith.addi %scan3A_37, %scan3A_38 : i32
    %scan3A_40 = arith.constant 1 : i32
    scf.for %scan3A_76 = %scan3A_37 to %scan3A_39 step %scan3A_40  : i32 {
      %mul3A_77 = arith.constant 5 : i32
      %mul3A_78 = arith.muli %scan3A_76, %mul3A_77 : i32
      %add3A_79 = arith.constant 0 : i32
      %add3A_80 = arith.addi %mul3A_78, %add3A_79 : i32
      %dma_wait3A_81 = arith.constant 0 : i32
      %dma_wait3A_82 = arith.constant 0 : i32
      %dma_wait3A_83 = tpu.memref_slice %arg5[%dma_wait3A_81, %dma_wait3A_82] : memref<50x128xi32, #tpu.memory_space<vmem>> -> memref<1x128xi32, #tpu.memory_space<vmem>>
      %dma_wait3A_84 = tpu.memref_squeeze %dma_wait3A_83 : memref<1x128xi32, #tpu.memory_space<vmem>> -> memref<128xi32, #tpu.memory_space<vmem>>
      %dma_wait3A_85 = arith.constant 0 : i32
      %dma_wait3A_86 = arith.constant 0 : i32
      %dma_wait3A_87 = tpu.memref_slice %arg3[%dma_wait3A_85, %dma_wait3A_86] : memref<100000x128xf32, #tpu.memory_space<hbm>> -> memref<100000x128xf32, #tpu.memory_space<hbm>>
      tpu.wait_indirect_dma semaphore(%arg11 : memref<!tpu.dma_semaphore, #tpu.memory_space<semaphore_mem>>) src(%dma_wait3A_87 : memref<100000x128xf32, #tpu.memory_space<hbm>>) dst(%arg6 : memref<128x128xf32, #tpu.memory_space<vmem>>)
      %scan3A_88 = arith.constant 0 : i32
      %scan3A_89 = arith.constant 0 : i32
      %scan3A_90 = arith.constant 128 : i32
      %scan3A_91 = arith.addi %scan3A_89, %scan3A_90 : i32
      %scan3A_92 = arith.constant 1 : i32
      scf.for %scan3A_236 = %scan3A_89 to %scan3A_91 step %scan3A_92  : i32 {
        %get3A = arith.index_cast %scan3A_236 : i32 to index
        %get3A_237 = arith.constant 0 : index
        %get3A_238 = tpu.vector_load %arg6[%get3A, %get3A_237] {strides = array<i32>} : memref<128x128xf32, #tpu.memory_space<vmem>>, vector<1x16xf32>,
        %get3A_239 = vector.shape_cast %get3A_238 : vector<1x16xf32> to vector<16xf32>
        %mul3A_240 = arith.constant 11.3137083 : f32
        %mul3A_241 = vector.broadcast %mul3A_240 : f32 to vector<16xf32>
        %mul3A_242 = arith.mulf %get3A_239, %mul3A_241 : vector<16xf32>
        %swap3A = arith.index_cast %scan3A_236 : i32 to index
        %swap3A_243 = arith.constant 0 : index
        %swap3A_244 = tpu.vector_load %arg6[%swap3A, %swap3A_243] {strides = array<i32>} : memref<128x128xf32, #tpu.memory_space<vmem>>, vector<1x16xf32>,
        %swap3A_245 = vector.shape_cast %swap3A_244 : vector<1x16xf32> to vector<16xf32>
        %swap3A_246 = vector.shape_cast %mul3A_242 : vector<16xf32> to vector<1x16xf32>
        tpu.vector_store %arg6[%swap3A, %swap3A_243], %swap3A_246 {strides = array<i32>} : memref<128x128xf32, #tpu.memory_space<vmem>>, vector<1x16xf32>,
        %get3A_247 = arith.index_cast %scan3A_236 : i32 to index
        %get3A_248 = arith.constant 16 : index
        %get3A_249 = tpu.vector_load %arg6[%get3A_247, %get3A_248] {strides = array<i32>} : memref<128x128xf32, #tpu.memory_space<vmem>>, vector<1x16xf32>,
        %get3A_250 = vector.shape_cast %get3A_249 : vector<1x16xf32> to vector<16xf32>
        %mul3A_251 = arith.constant 11.3137083 : f32
        %mul3A_252 = vector.broadcast %mul3A_251 : f32 to vector<16xf32>
        %mul3A_253 = arith.mulf %get3A_250, %mul3A_252 : vector<16xf32>
        %swap3A_254 = arith.index_cast %scan3A_236 : i32 to index
        %swap3A_255 = arith.constant 16 : index
        %swap3A_256 = tpu.vector_load %arg6[%swap3A_254, %swap3A_255] {strides = array<i32>} : memref<128x128xf32, #tpu.memory_space<vmem>>, vector<1x16xf32>,
        %swap3A_257 = vector.shape_cast %swap3A_256 : vector<1x16xf32> to vector<16xf32>
        %swap3A_258 = vector.shape_cast %mul3A_253 : vector<16xf32> to vector<1x16xf32>
        tpu.vector_store %arg6[%swap3A_254, %swap3A_255], %swap3A_258 {strides = array<i32>} : memref<128x128xf32, #tpu.memory_space<vmem>>, vector<1x16xf32>,
        %get3A_259 = arith.index_cast %scan3A_236 : i32 to index
        %get3A_260 = arith.constant 32 : index
        %get3A_261 = tpu.vector_load %arg6[%get3A_259, %get3A_260] {strides = array<i32>} : memref<128x128xf32, #tpu.memory_space<vmem>>, vector<1x16xf32>,
        %get3A_262 = vector.shape_cast %get3A_261 : vector<1x16xf32> to vector<16xf32>
        %mul3A_263 = arith.constant 11.3137083 : f32
        %mul3A_264 = vector.broadcast %mul3A_263 : f32 to vector<16xf32>
        %mul3A_265 = arith.mulf %get3A_262, %mul3A_264 : vector<16xf32>
        %swap3A_266 = arith.index_cast %scan3A_236 : i32 to index
        %swap3A_267 = arith.constant 32 : index
        %swap3A_268 = tpu.vector_load %arg6[%swap3A_266, %swap3A_267] {strides = array<i32>} : memref<128x128xf32, #tpu.memory_space<vmem>>, vector<1x16xf32>,
        %swap3A_269 = vector.shape_cast %swap3A_268 : vector<1x16xf32> to vector<16xf32>
        %swap3A_270 = vector.shape_cast %mul3A_265 : vector<16xf32> to vector<1x16xf32>
        tpu.vector_store %arg6[%swap3A_266, %swap3A_267], %swap3A_270 {strides = array<i32>} : memref<128x128xf32, #tpu.memory_space<vmem>>, vector<1x16xf32>,
        %get3A_271 = arith.index_cast %scan3A_236 : i32 to index
        %get3A_272 = arith.constant 48 : index
        %get3A_273 = tpu.vector_load %arg6[%get3A_271, %get3A_272] {strides = array<i32>} : memref<128x128xf32, #tpu.memory_space<vmem>>, vector<1x16xf32>,
        %get3A_274 = vector.shape_cast %get3A_273 : vector<1x16xf32> to vector<16xf32>
        %mul3A_275 = arith.constant 11.3137083 : f32
        %mul3A_276 = vector.broadcast %mul3A_275 : f32 to vector<16xf32>
        %mul3A_277 = arith.mulf %get3A_274, %mul3A_276 : vector<16xf32>
        %swap3A_278 = arith.index_cast %scan3A_236 : i32 to index
        %swap3A_279 = arith.constant 48 : index
        %swap3A_280 = tpu.vector_load %arg6[%swap3A_278, %swap3A_279] {strides = array<i32>} : memref<128x128xf32, #tpu.memory_space<vmem>>, vector<1x16xf32>,
        %swap3A_281 = vector.shape_cast %swap3A_280 : vector<1x16xf32> to vector<16xf32>
        %swap3A_282 = vector.shape_cast %mul3A_277 : vector<16xf32> to vector<1x16xf32>
        tpu.vector_store %arg6[%swap3A_278, %swap3A_279], %swap3A_282 {strides = array<i32>} : memref<128x128xf32, #tpu.memory_space<vmem>>, vector<1x16xf32>,
        %get3A_283 = arith.index_cast %scan3A_236 : i32 to index
        %get3A_284 = arith.constant 64 : index
        %get3A_285 = tpu.vector_load %arg6[%get3A_283, %get3A_284] {strides = array<i32>} : memref<128x128xf32, #tpu.memory_space<vmem>>, vector<1x16xf32>,
        %get3A_286 = vector.shape_cast %get3A_285 : vector<1x16xf32> to vector<16xf32>
        %mul3A_287 = arith.constant 11.3137083 : f32
        %mul3A_288 = vector.broadcast %mul3A_287 : f32 to vector<16xf32>
        %mul3A_289 = arith.mulf %get3A_286, %mul3A_288 : vector<16xf32>
        %swap3A_290 = arith.index_cast %scan3A_236 : i32 to index
        %swap3A_291 = arith.constant 64 : index
        %swap3A_292 = tpu.vector_load %arg6[%swap3A_290, %swap3A_291] {strides = array<i32>} : memref<128x128xf32, #tpu.memory_space<vmem>>, vector<1x16xf32>,
        %swap3A_293 = vector.shape_cast %swap3A_292 : vector<1x16xf32> to vector<16xf32>
        %swap3A_294 = vector.shape_cast %mul3A_289 : vector<16xf32> to vector<1x16xf32>
        tpu.vector_store %arg6[%swap3A_290, %swap3A_291], %swap3A_294 {strides = array<i32>} : memref<128x128xf32, #tpu.memory_space<vmem>>, vector<1x16xf32>,
        %get3A_295 = arith.index_cast %scan3A_236 : i32 to index
        %get3A_296 = arith.constant 80 : index
        %get3A_297 = tpu.vector_load %arg6[%get3A_295, %get3A_296] {strides = array<i32>} : memref<128x128xf32, #tpu.memory_space<vmem>>, vector<1x16xf32>,
        %get3A_298 = vector.shape_cast %get3A_297 : vector<1x16xf32> to vector<16xf32>
        %mul3A_299 = arith.constant 11.3137083 : f32
        %mul3A_300 = vector.broadcast %mul3A_299 : f32 to vector<16xf32>
        %mul3A_301 = arith.mulf %get3A_298, %mul3A_300 : vector<16xf32>
        %swap3A_302 = arith.index_cast %scan3A_236 : i32 to index
        %swap3A_303 = arith.constant 80 : index
        %swap3A_304 = tpu.vector_load %arg6[%swap3A_302, %swap3A_303] {strides = array<i32>} : memref<128x128xf32, #tpu.memory_space<vmem>>, vector<1x16xf32>,
        %swap3A_305 = vector.shape_cast %swap3A_304 : vector<1x16xf32> to vector<16xf32>
        %swap3A_306 = vector.shape_cast %mul3A_301 : vector<16xf32> to vector<1x16xf32>
        tpu.vector_store %arg6[%swap3A_302, %swap3A_303], %swap3A_306 {strides = array<i32>} : memref<128x128xf32, #tpu.memory_space<vmem>>, vector<1x16xf32>,
        %get3A_307 = arith.index_cast %scan3A_236 : i32 to index
        %get3A_308 = arith.constant 96 : index
        %get3A_309 = tpu.vector_load %arg6[%get3A_307, %get3A_308] {strides = array<i32>} : memref<128x128xf32, #tpu.memory_space<vmem>>, vector<1x16xf32>,
        %get3A_310 = vector.shape_cast %get3A_309 : vector<1x16xf32> to vector<16xf32>
        %mul3A_311 = arith.constant 11.3137083 : f32
        %mul3A_312 = vector.broadcast %mul3A_311 : f32 to vector<16xf32>
        %mul3A_313 = arith.mulf %get3A_310, %mul3A_312 : vector<16xf32>
        %swap3A_314 = arith.index_cast %scan3A_236 : i32 to index
        %swap3A_315 = arith.constant 96 : index
        %swap3A_316 = tpu.vector_load %arg6[%swap3A_314, %swap3A_315] {strides = array<i32>} : memref<128x128xf32, #tpu.memory_space<vmem>>, vector<1x16xf32>,
        %swap3A_317 = vector.shape_cast %swap3A_316 : vector<1x16xf32> to vector<16xf32>
        %swap3A_318 = vector.shape_cast %mul3A_313 : vector<16xf32> to vector<1x16xf32>
        tpu.vector_store %arg6[%swap3A_314, %swap3A_315], %swap3A_318 {strides = array<i32>} : memref<128x128xf32, #tpu.memory_space<vmem>>, vector<1x16xf32>,
        %get3A_319 = arith.index_cast %scan3A_236 : i32 to index
        %get3A_320 = arith.constant 112 : index
        %get3A_321 = tpu.vector_load %arg6[%get3A_319, %get3A_320] {strides = array<i32>} : memref<128x128xf32, #tpu.memory_space<vmem>>, vector<1x16xf32>,
        %get3A_322 = vector.shape_cast %get3A_321 : vector<1x16xf32> to vector<16xf32>
        %mul3A_323 = arith.constant 11.3137083 : f32
        %mul3A_324 = vector.broadcast %mul3A_323 : f32 to vector<16xf32>
        %mul3A_325 = arith.mulf %get3A_322, %mul3A_324 : vector<16xf32>
        %swap3A_326 = arith.index_cast %scan3A_236 : i32 to index
        %swap3A_327 = arith.constant 112 : index
        %swap3A_328 = tpu.vector_load %arg6[%swap3A_326, %swap3A_327] {strides = array<i32>} : memref<128x128xf32, #tpu.memory_space<vmem>>, vector<1x16xf32>,
        %swap3A_329 = vector.shape_cast %swap3A_328 : vector<1x16xf32> to vector<16xf32>
        %swap3A_330 = vector.shape_cast %mul3A_325 : vector<16xf32> to vector<1x16xf32>
        tpu.vector_store %arg6[%swap3A_326, %swap3A_327], %swap3A_330 {strides = array<i32>} : memref<128x128xf32, #tpu.memory_space<vmem>>, vector<1x16xf32>,
      }
      %scan3A_93 = arith.constant 128 : i32
      %dma_start3A_94 = arith.constant 0 : i32
      %dma_start3A_95 = tpu.memref_slice %arg4[%add3A_80, %mul3A_2, %dma_start3A_94] : memref<50x4096x128xf32, #tpu.memory_space<hbm>> -> memref<1x128x128xf32, #tpu.memory_space<hbm>>
      %dma_start3A_96 = tpu.memref_squeeze %dma_start3A_95 : memref<1x128x128xf32, #tpu.memory_space<hbm>> -> memref<128x128xf32, #tpu.memory_space<hbm>>
      %dma_start3A_97 = arith.constant 0 : i32
      %dma_start3A_98 = tpu.memref_slice %arg4[%add3A_80, %mul3A_2, %dma_start3A_97] : memref<50x4096x128xf32, #tpu.memory_space<hbm>> -> memref<1x128x128xf32, #tpu.memory_space<hbm>>
      %dma_start3A_99 = tpu.memref_squeeze %dma_start3A_98 : memref<1x128x128xf32, #tpu.memory_space<hbm>> -> memref<128x128xf32, #tpu.memory_space<hbm>>
      tpu.enqueue_dma source(%arg6 : memref<128x128xf32, #tpu.memory_space<vmem>>) target(%dma_start3A_99 : memref<128x128xf32, #tpu.memory_space<hbm>>) target_semaphore(%arg16 : memref<!tpu.dma_semaphore, #tpu.memory_space<semaphore_mem>>)
      %sub3A = arith.constant 1 : i32
      %sub3A_100 = arith.subi %add3A_80, %sub3A : i32
      %ge3A = arith.constant 0 : i32
      %ge3A_101 = arith.cmpi sge, %sub3A_100, %ge3A : i32
      %lt3A = arith.constant 45 : i32
      %lt3A_102 = arith.cmpi slt, %sub3A_100, %lt3A : i32
      %and3A = arith.andi %ge3A_101, %lt3A_102 : i1
      %convert_element_type3A = arith.extui %and3A : i1 to i32
      %cond3A = arith.constant 0 : i32
      %cond3A_103 = arith.cmpi ne, %convert_element_type3A, %cond3A : i32
      scf.if %cond3A_103 {
        %dma_wait3A_236 = arith.constant 0 : i32
        %dma_wait3A_237 = tpu.memref_slice %arg4[%sub3A_100, %mul3A_2, %dma_wait3A_236] : memref<50x4096x128xf32, #tpu.memory_space<hbm>> -> memref<1x128x128xf32, #tpu.memory_space<hbm>>
        %dma_wait3A_238 = tpu.memref_squeeze %dma_wait3A_237 : memref<1x128x128xf32, #tpu.memory_space<hbm>> -> memref<128x128xf32, #tpu.memory_space<hbm>>
        %dma_wait3A_239 = arith.constant 0 : i32
        %dma_wait3A_240 = tpu.memref_slice %arg4[%sub3A_100, %mul3A_2, %dma_wait3A_239] : memref<50x4096x128xf32, #tpu.memory_space<hbm>> -> memref<1x128x128xf32, #tpu.memory_space<hbm>>
        %dma_wait3A_241 = tpu.memref_squeeze %dma_wait3A_240 : memref<1x128x128xf32, #tpu.memory_space<hbm>> -> memref<128x128xf32, #tpu.memory_space<hbm>>
        tpu.wait_dma2 semaphore(%arg20 : memref<!tpu.dma_semaphore, #tpu.memory_space<semaphore_mem>>) src(%arg10 : memref<128x128xf32, #tpu.memory_space<vmem>>) dst(%dma_wait3A_241 : memref<128x128xf32, #tpu.memory_space<hbm>>)
        %add3A_242 = arith.constant 5 : i32
        %add3A_243 = arith.addi %sub3A_100, %add3A_242 : i32
        %dma_start3A_244 = arith.constant 0 : i32
        %dma_start3A_245 = tpu.memref_slice %arg5[%add3A_243, %dma_start3A_244] : memref<50x128xi32, #tpu.memory_space<vmem>> -> memref<1x128xi32, #tpu.memory_space<vmem>>
        %dma_start3A_246 = tpu.memref_squeeze %dma_start3A_245 : memref<1x128xi32, #tpu.memory_space<vmem>> -> memref<128xi32, #tpu.memory_space<vmem>>
        %dma_start3A_247 = arith.constant 0 : i32
        %dma_start3A_248 = arith.constant 0 : i32
        %dma_start3A_249 = tpu.memref_slice %arg3[%dma_start3A_247, %dma_start3A_248] : memref<100000x128xf32, #tpu.memory_space<hbm>> -> memref<100000x128xf32, #tpu.memory_space<hbm>>
        tpu.enqueue_indirect_dma source(%dma_start3A_249 : memref<100000x128xf32, #tpu.memory_space<hbm>>) target(%arg10 : memref<128x128xf32, #tpu.memory_space<vmem>>) offsets(%dma_start3A_246 : memref<128xi32, #tpu.memory_space<vmem>>) semaphore(%arg15 : memref<!tpu.dma_semaphore, #tpu.memory_space<semaphore_mem>>)
      } else {
      }
      %mul3A_104 = arith.constant 5 : i32
      %mul3A_105 = arith.muli %scan3A_76, %mul3A_104 : i32
      %add3A_106 = arith.constant 1 : i32
      %add3A_107 = arith.addi %mul3A_105, %add3A_106 : i32
      %dma_wait3A_108 = arith.constant 0 : i32
      %dma_wait3A_109 = arith.constant 0 : i32
      %dma_wait3A_110 = tpu.memref_slice %arg5[%dma_wait3A_108, %dma_wait3A_109] : memref<50x128xi32, #tpu.memory_space<vmem>> -> memref<1x128xi32, #tpu.memory_space<vmem>>
      %dma_wait3A_111 = tpu.memref_squeeze %dma_wait3A_110 : memref<1x128xi32, #tpu.memory_space<vmem>> -> memref<128xi32, #tpu.memory_space<vmem>>
      %dma_wait3A_112 = arith.constant 0 : i32
      %dma_wait3A_113 = arith.constant 0 : i32
      %dma_wait3A_114 = tpu.memref_slice %arg3[%dma_wait3A_112, %dma_wait3A_113] : memref<100000x128xf32, #tpu.memory_space<hbm>> -> memref<100000x128xf32, #tpu.memory_space<hbm>>
      tpu.wait_indirect_dma semaphore(%arg12 : memref<!tpu.dma_semaphore, #tpu.memory_space<semaphore_mem>>) src(%dma_wait3A_114 : memref<100000x128xf32, #tpu.memory_space<hbm>>) dst(%arg7 : memref<128x128xf32, #tpu.memory_space<vmem>>)
      %scan3A_115 = arith.constant 0 : i32
      %scan3A_116 = arith.constant 0 : i32
      %scan3A_117 = arith.constant 128 : i32
      %scan3A_118 = arith.addi %scan3A_116, %scan3A_117 : i32
      %scan3A_119 = arith.constant 1 : i32
      scf.for %scan3A_236 = %scan3A_116 to %scan3A_118 step %scan3A_119  : i32 {
        %get3A = arith.index_cast %scan3A_236 : i32 to index
        %get3A_237 = arith.constant 0 : index
        %get3A_238 = tpu.vector_load %arg7[%get3A, %get3A_237] {strides = array<i32>} : memref<128x128xf32, #tpu.memory_space<vmem>>, vector<1x16xf32>,
        %get3A_239 = vector.shape_cast %get3A_238 : vector<1x16xf32> to vector<16xf32>
        %mul3A_240 = arith.constant 11.3137083 : f32
        %mul3A_241 = vector.broadcast %mul3A_240 : f32 to vector<16xf32>
        %mul3A_242 = arith.mulf %get3A_239, %mul3A_241 : vector<16xf32>
        %swap3A = arith.index_cast %scan3A_236 : i32 to index
        %swap3A_243 = arith.constant 0 : index
        %swap3A_244 = tpu.vector_load %arg7[%swap3A, %swap3A_243] {strides = array<i32>} : memref<128x128xf32, #tpu.memory_space<vmem>>, vector<1x16xf32>,
        %swap3A_245 = vector.shape_cast %swap3A_244 : vector<1x16xf32> to vector<16xf32>
        %swap3A_246 = vector.shape_cast %mul3A_242 : vector<16xf32> to vector<1x16xf32>
        tpu.vector_store %arg7[%swap3A, %swap3A_243], %swap3A_246 {strides = array<i32>} : memref<128x128xf32, #tpu.memory_space<vmem>>, vector<1x16xf32>,
        %get3A_247 = arith.index_cast %scan3A_236 : i32 to index
        %get3A_248 = arith.constant 16 : index
        %get3A_249 = tpu.vector_load %arg7[%get3A_247, %get3A_248] {strides = array<i32>} : memref<128x128xf32, #tpu.memory_space<vmem>>, vector<1x16xf32>,
        %get3A_250 = vector.shape_cast %get3A_249 : vector<1x16xf32> to vector<16xf32>
        %mul3A_251 = arith.constant 11.3137083 : f32
        %mul3A_252 = vector.broadcast %mul3A_251 : f32 to vector<16xf32>
        %mul3A_253 = arith.mulf %get3A_250, %mul3A_252 : vector<16xf32>
        %swap3A_254 = arith.index_cast %scan3A_236 : i32 to index
        %swap3A_255 = arith.constant 16 : index
        %swap3A_256 = tpu.vector_load %arg7[%swap3A_254, %swap3A_255] {strides = array<i32>} : memref<128x128xf32, #tpu.memory_space<vmem>>, vector<1x16xf32>,
        %swap3A_257 = vector.shape_cast %swap3A_256 : vector<1x16xf32> to vector<16xf32>
        %swap3A_258 = vector.shape_cast %mul3A_253 : vector<16xf32> to vector<1x16xf32>
        tpu.vector_store %arg7[%swap3A_254, %swap3A_255], %swap3A_258 {strides = array<i32>} : memref<128x128xf32, #tpu.memory_space<vmem>>, vector<1x16xf32>,
        %get3A_259 = arith.index_cast %scan3A_236 : i32 to index
        %get3A_260 = arith.constant 32 : index
        %get3A_261 = tpu.vector_load %arg7[%get3A_259, %get3A_260] {strides = array<i32>} : memref<128x128xf32, #tpu.memory_space<vmem>>, vector<1x16xf32>,
        %get3A_262 = vector.shape_cast %get3A_261 : vector<1x16xf32> to vector<16xf32>
        %mul3A_263 = arith.constant 11.3137083 : f32
        %mul3A_264 = vector.broadcast %mul3A_263 : f32 to vector<16xf32>
        %mul3A_265 = arith.mulf %get3A_262, %mul3A_264 : vector<16xf32>
        %swap3A_266 = arith.index_cast %scan3A_236 : i32 to index
        %swap3A_267 = arith.constant 32 : index
        %swap3A_268 = tpu.vector_load %arg7[%swap3A_266, %swap3A_267] {strides = array<i32>} : memref<128x128xf32, #tpu.memory_space<vmem>>, vector<1x16xf32>,
        %swap3A_269 = vector.shape_cast %swap3A_268 : vector<1x16xf32> to vector<16xf32>
        %swap3A_270 = vector.shape_cast %mul3A_265 : vector<16xf32> to vector<1x16xf32>
        tpu.vector_store %arg7[%swap3A_266, %swap3A_267], %swap3A_270 {strides = array<i32>} : memref<128x128xf32, #tpu.memory_space<vmem>>, vector<1x16xf32>,
        %get3A_271 = arith.index_cast %scan3A_236 : i32 to index
        %get3A_272 = arith.constant 48 : index
        %get3A_273 = tpu.vector_load %arg7[%get3A_271, %get3A_272] {strides = array<i32>} : memref<128x128xf32, #tpu.memory_space<vmem>>, vector<1x16xf32>,
        %get3A_274 = vector.shape_cast %get3A_273 : vector<1x16xf32> to vector<16xf32>
        %mul3A_275 = arith.constant 11.3137083 : f32
        %mul3A_276 = vector.broadcast %mul3A_275 : f32 to vector<16xf32>
        %mul3A_277 = arith.mulf %get3A_274, %mul3A_276 : vector<16xf32>
        %swap3A_278 = arith.index_cast %scan3A_236 : i32 to index
        %swap3A_279 = arith.constant 48 : index
        %swap3A_280 = tpu.vector_load %arg7[%swap3A_278, %swap3A_279] {strides = array<i32>} : memref<128x128xf32, #tpu.memory_space<vmem>>, vector<1x16xf32>,
        %swap3A_281 = vector.shape_cast %swap3A_280 : vector<1x16xf32> to vector<16xf32>
        %swap3A_282 = vector.shape_cast %mul3A_277 : vector<16xf32> to vector<1x16xf32>
        tpu.vector_store %arg7[%swap3A_278, %swap3A_279], %swap3A_282 {strides = array<i32>} : memref<128x128xf32, #tpu.memory_space<vmem>>, vector<1x16xf32>,
        %get3A_283 = arith.index_cast %scan3A_236 : i32 to index
        %get3A_284 = arith.constant 64 : index
        %get3A_285 = tpu.vector_load %arg7[%get3A_283, %get3A_284] {strides = array<i32>} : memref<128x128xf32, #tpu.memory_space<vmem>>, vector<1x16xf32>,
        %get3A_286 = vector.shape_cast %get3A_285 : vector<1x16xf32> to vector<16xf32>
        %mul3A_287 = arith.constant 11.3137083 : f32
        %mul3A_288 = vector.broadcast %mul3A_287 : f32 to vector<16xf32>
        %mul3A_289 = arith.mulf %get3A_286, %mul3A_288 : vector<16xf32>
        %swap3A_290 = arith.index_cast %scan3A_236 : i32 to index
        %swap3A_291 = arith.constant 64 : index
        %swap3A_292 = tpu.vector_load %arg7[%swap3A_290, %swap3A_291] {strides = array<i32>} : memref<128x128xf32, #tpu.memory_space<vmem>>, vector<1x16xf32>,
        %swap3A_293 = vector.shape_cast %swap3A_292 : vector<1x16xf32> to vector<16xf32>
        %swap3A_294 = vector.shape_cast %mul3A_289 : vector<16xf32> to vector<1x16xf32>
        tpu.vector_store %arg7[%swap3A_290, %swap3A_291], %swap3A_294 {strides = array<i32>} : memref<128x128xf32, #tpu.memory_space<vmem>>, vector<1x16xf32>,
        %get3A_295 = arith.index_cast %scan3A_236 : i32 to index
        %get3A_296 = arith.constant 80 : index
        %get3A_297 = tpu.vector_load %arg7[%get3A_295, %get3A_296] {strides = array<i32>} : memref<128x128xf32, #tpu.memory_space<vmem>>, vector<1x16xf32>,
        %get3A_298 = vector.shape_cast %get3A_297 : vector<1x16xf32> to vector<16xf32>
        %mul3A_299 = arith.constant 11.3137083 : f32
        %mul3A_300 = vector.broadcast %mul3A_299 : f32 to vector<16xf32>
        %mul3A_301 = arith.mulf %get3A_298, %mul3A_300 : vector<16xf32>
        %swap3A_302 = arith.index_cast %scan3A_236 : i32 to index
        %swap3A_303 = arith.constant 80 : index
        %swap3A_304 = tpu.vector_load %arg7[%swap3A_302, %swap3A_303] {strides = array<i32>} : memref<128x128xf32, #tpu.memory_space<vmem>>, vector<1x16xf32>,
        %swap3A_305 = vector.shape_cast %swap3A_304 : vector<1x16xf32> to vector<16xf32>
        %swap3A_306 = vector.shape_cast %mul3A_301 : vector<16xf32> to vector<1x16xf32>
        tpu.vector_store %arg7[%swap3A_302, %swap3A_303], %swap3A_306 {strides = array<i32>} : memref<128x128xf32, #tpu.memory_space<vmem>>, vector<1x16xf32>,
        %get3A_307 = arith.index_cast %scan3A_236 : i32 to index
        %get3A_308 = arith.constant 96 : index
        %get3A_309 = tpu.vector_load %arg7[%get3A_307, %get3A_308] {strides = array<i32>} : memref<128x128xf32, #tpu.memory_space<vmem>>, vector<1x16xf32>,
        %get3A_310 = vector.shape_cast %get3A_309 : vector<1x16xf32> to vector<16xf32>
        %mul3A_311 = arith.constant 11.3137083 : f32
        %mul3A_312 = vector.broadcast %mul3A_311 : f32 to vector<16xf32>
        %mul3A_313 = arith.mulf %get3A_310, %mul3A_312 : vector<16xf32>
        %swap3A_314 = arith.index_cast %scan3A_236 : i32 to index
        %swap3A_315 = arith.constant 96 : index
        %swap3A_316 = tpu.vector_load %arg7[%swap3A_314, %swap3A_315] {strides = array<i32>} : memref<128x128xf32, #tpu.memory_space<vmem>>, vector<1x16xf32>,
        %swap3A_317 = vector.shape_cast %swap3A_316 : vector<1x16xf32> to vector<16xf32>
        %swap3A_318 = vector.shape_cast %mul3A_313 : vector<16xf32> to vector<1x16xf32>
        tpu.vector_store %arg7[%swap3A_314, %swap3A_315], %swap3A_318 {strides = array<i32>} : memref<128x128xf32, #tpu.memory_space<vmem>>, vector<1x16xf32>,
        %get3A_319 = arith.index_cast %scan3A_236 : i32 to index
        %get3A_320 = arith.constant 112 : index
        %get3A_321 = tpu.vector_load %arg7[%get3A_319, %get3A_320] {strides = array<i32>} : memref<128x128xf32, #tpu.memory_space<vmem>>, vector<1x16xf32>,
        %get3A_322 = vector.shape_cast %get3A_321 : vector<1x16xf32> to vector<16xf32>
        %mul3A_323 = arith.constant 11.3137083 : f32
        %mul3A_324 = vector.broadcast %mul3A_323 : f32 to vector<16xf32>
        %mul3A_325 = arith.mulf %get3A_322, %mul3A_324 : vector<16xf32>
        %swap3A_326 = arith.index_cast %scan3A_236 : i32 to index
        %swap3A_327 = arith.constant 112 : index
        %swap3A_328 = tpu.vector_load %arg7[%swap3A_326, %swap3A_327] {strides = array<i32>} : memref<128x128xf32, #tpu.memory_space<vmem>>, vector<1x16xf32>,
        %swap3A_329 = vector.shape_cast %swap3A_328 : vector<1x16xf32> to vector<16xf32>
        %swap3A_330 = vector.shape_cast %mul3A_325 : vector<16xf32> to vector<1x16xf32>
        tpu.vector_store %arg7[%swap3A_326, %swap3A_327], %swap3A_330 {strides = array<i32>} : memref<128x128xf32, #tpu.memory_space<vmem>>, vector<1x16xf32>,
      }
      %scan3A_120 = arith.constant 128 : i32
      %dma_start3A_121 = arith.constant 0 : i32
      %dma_start3A_122 = tpu.memref_slice %arg4[%add3A_107, %mul3A_2, %dma_start3A_121] : memref<50x4096x128xf32, #tpu.memory_space<hbm>> -> memref<1x128x128xf32, #tpu.memory_space<hbm>>
      %dma_start3A_123 = tpu.memref_squeeze %dma_start3A_122 : memref<1x128x128xf32, #tpu.memory_space<hbm>> -> memref<128x128xf32, #tpu.memory_space<hbm>>
      %dma_start3A_124 = arith.constant 0 : i32
      %dma_start3A_125 = tpu.memref_slice %arg4[%add3A_107, %mul3A_2, %dma_start3A_124] : memref<50x4096x128xf32, #tpu.memory_space<hbm>> -> memref<1x128x128xf32, #tpu.memory_space<hbm>>
      %dma_start3A_126 = tpu.memref_squeeze %dma_start3A_125 : memref<1x128x128xf32, #tpu.memory_space<hbm>> -> memref<128x128xf32, #tpu.memory_space<hbm>>
      tpu.enqueue_dma source(%arg7 : memref<128x128xf32, #tpu.memory_space<vmem>>) target(%dma_start3A_126 : memref<128x128xf32, #tpu.memory_space<hbm>>) target_semaphore(%arg17 : memref<!tpu.dma_semaphore, #tpu.memory_space<semaphore_mem>>)
      %sub3A_127 = arith.constant 1 : i32
      %sub3A_128 = arith.subi %add3A_107, %sub3A_127 : i32
      %ge3A_129 = arith.constant 0 : i32
      %ge3A_130 = arith.cmpi sge, %sub3A_128, %ge3A_129 : i32
      %lt3A_131 = arith.constant 45 : i32
      %lt3A_132 = arith.cmpi slt, %sub3A_128, %lt3A_131 : i32
      %and3A_133 = arith.andi %ge3A_130, %lt3A_132 : i1
      %convert_element_type3A_134 = arith.extui %and3A_133 : i1 to i32
      %cond3A_135 = arith.constant 0 : i32
      %cond3A_136 = arith.cmpi ne, %convert_element_type3A_134, %cond3A_135 : i32
      scf.if %cond3A_136 {
        %dma_wait3A_236 = arith.constant 0 : i32
        %dma_wait3A_237 = tpu.memref_slice %arg4[%sub3A_128, %mul3A_2, %dma_wait3A_236] : memref<50x4096x128xf32, #tpu.memory_space<hbm>> -> memref<1x128x128xf32, #tpu.memory_space<hbm>>
        %dma_wait3A_238 = tpu.memref_squeeze %dma_wait3A_237 : memref<1x128x128xf32, #tpu.memory_space<hbm>> -> memref<128x128xf32, #tpu.memory_space<hbm>>
        %dma_wait3A_239 = arith.constant 0 : i32
        %dma_wait3A_240 = tpu.memref_slice %arg4[%sub3A_128, %mul3A_2, %dma_wait3A_239] : memref<50x4096x128xf32, #tpu.memory_space<hbm>> -> memref<1x128x128xf32, #tpu.memory_space<hbm>>
        %dma_wait3A_241 = tpu.memref_squeeze %dma_wait3A_240 : memref<1x128x128xf32, #tpu.memory_space<hbm>> -> memref<128x128xf32, #tpu.memory_space<hbm>>
        tpu.wait_dma2 semaphore(%arg16 : memref<!tpu.dma_semaphore, #tpu.memory_space<semaphore_mem>>) src(%arg6 : memref<128x128xf32, #tpu.memory_space<vmem>>) dst(%dma_wait3A_241 : memref<128x128xf32, #tpu.memory_space<hbm>>)
        %add3A_242 = arith.constant 5 : i32
        %add3A_243 = arith.addi %sub3A_128, %add3A_242 : i32
        %dma_start3A_244 = arith.constant 0 : i32
        %dma_start3A_245 = tpu.memref_slice %arg5[%add3A_243, %dma_start3A_244] : memref<50x128xi32, #tpu.memory_space<vmem>> -> memref<1x128xi32, #tpu.memory_space<vmem>>
        %dma_start3A_246 = tpu.memref_squeeze %dma_start3A_245 : memref<1x128xi32, #tpu.memory_space<vmem>> -> memref<128xi32, #tpu.memory_space<vmem>>
        %dma_start3A_247 = arith.constant 0 : i32
        %dma_start3A_248 = arith.constant 0 : i32
        %dma_start3A_249 = tpu.memref_slice %arg3[%dma_start3A_247, %dma_start3A_248] : memref<100000x128xf32, #tpu.memory_space<hbm>> -> memref<100000x128xf32, #tpu.memory_space<hbm>>
        tpu.enqueue_indirect_dma source(%dma_start3A_249 : memref<100000x128xf32, #tpu.memory_space<hbm>>) target(%arg6 : memref<128x128xf32, #tpu.memory_space<vmem>>) offsets(%dma_start3A_246 : memref<128xi32, #tpu.memory_space<vmem>>) semaphore(%arg11 : memref<!tpu.dma_semaphore, #tpu.memory_space<semaphore_mem>>)
      } else {
      }
      %mul3A_137 = arith.constant 5 : i32
      %mul3A_138 = arith.muli %scan3A_76, %mul3A_137 : i32
      %add3A_139 = arith.constant 2 : i32
      %add3A_140 = arith.addi %mul3A_138, %add3A_139 : i32
      %dma_wait3A_141 = arith.constant 0 : i32
      %dma_wait3A_142 = arith.constant 0 : i32
      %dma_wait3A_143 = tpu.memref_slice %arg5[%dma_wait3A_141, %dma_wait3A_142] : memref<50x128xi32, #tpu.memory_space<vmem>> -> memref<1x128xi32, #tpu.memory_space<vmem>>
      %dma_wait3A_144 = tpu.memref_squeeze %dma_wait3A_143 : memref<1x128xi32, #tpu.memory_space<vmem>> -> memref<128xi32, #tpu.memory_space<vmem>>
      %dma_wait3A_145 = arith.constant 0 : i32
      %dma_wait3A_146 = arith.constant 0 : i32
      %dma_wait3A_147 = tpu.memref_slice %arg3[%dma_wait3A_145, %dma_wait3A_146] : memref<100000x128xf32, #tpu.memory_space<hbm>> -> memref<100000x128xf32, #tpu.memory_space<hbm>>
      tpu.wait_indirect_dma semaphore(%arg13 : memref<!tpu.dma_semaphore, #tpu.memory_space<semaphore_mem>>) src(%dma_wait3A_147 : memref<100000x128xf32, #tpu.memory_space<hbm>>) dst(%arg8 : memref<128x128xf32, #tpu.memory_space<vmem>>)
      %scan3A_148 = arith.constant 0 : i32
      %scan3A_149 = arith.constant 0 : i32
      %scan3A_150 = arith.constant 128 : i32
      %scan3A_151 = arith.addi %scan3A_149, %scan3A_150 : i32
      %scan3A_152 = arith.constant 1 : i32
      scf.for %scan3A_236 = %scan3A_149 to %scan3A_151 step %scan3A_152  : i32 {
        %get3A = arith.index_cast %scan3A_236 : i32 to index
        %get3A_237 = arith.constant 0 : index
        %get3A_238 = tpu.vector_load %arg8[%get3A, %get3A_237] {strides = array<i32>} : memref<128x128xf32, #tpu.memory_space<vmem>>, vector<1x16xf32>,
        %get3A_239 = vector.shape_cast %get3A_238 : vector<1x16xf32> to vector<16xf32>
        %mul3A_240 = arith.constant 11.3137083 : f32
        %mul3A_241 = vector.broadcast %mul3A_240 : f32 to vector<16xf32>
        %mul3A_242 = arith.mulf %get3A_239, %mul3A_241 : vector<16xf32>
        %swap3A = arith.index_cast %scan3A_236 : i32 to index
        %swap3A_243 = arith.constant 0 : index
        %swap3A_244 = tpu.vector_load %arg8[%swap3A, %swap3A_243] {strides = array<i32>} : memref<128x128xf32, #tpu.memory_space<vmem>>, vector<1x16xf32>,
        %swap3A_245 = vector.shape_cast %swap3A_244 : vector<1x16xf32> to vector<16xf32>
        %swap3A_246 = vector.shape_cast %mul3A_242 : vector<16xf32> to vector<1x16xf32>
        tpu.vector_store %arg8[%swap3A, %swap3A_243], %swap3A_246 {strides = array<i32>} : memref<128x128xf32, #tpu.memory_space<vmem>>, vector<1x16xf32>,
        %get3A_247 = arith.index_cast %scan3A_236 : i32 to index
        %get3A_248 = arith.constant 16 : index
        %get3A_249 = tpu.vector_load %arg8[%get3A_247, %get3A_248] {strides = array<i32>} : memref<128x128xf32, #tpu.memory_space<vmem>>, vector<1x16xf32>,
        %get3A_250 = vector.shape_cast %get3A_249 : vector<1x16xf32> to vector<16xf32>
        %mul3A_251 = arith.constant 11.3137083 : f32
        %mul3A_252 = vector.broadcast %mul3A_251 : f32 to vector<16xf32>
        %mul3A_253 = arith.mulf %get3A_250, %mul3A_252 : vector<16xf32>
        %swap3A_254 = arith.index_cast %scan3A_236 : i32 to index
        %swap3A_255 = arith.constant 16 : index
        %swap3A_256 = tpu.vector_load %arg8[%swap3A_254, %swap3A_255] {strides = array<i32>} : memref<128x128xf32, #tpu.memory_space<vmem>>, vector<1x16xf32>,
        %swap3A_257 = vector.shape_cast %swap3A_256 : vector<1x16xf32> to vector<16xf32>
        %swap3A_258 = vector.shape_cast %mul3A_253 : vector<16xf32> to vector<1x16xf32>
        tpu.vector_store %arg8[%swap3A_254, %swap3A_255], %swap3A_258 {strides = array<i32>} : memref<128x128xf32, #tpu.memory_space<vmem>>, vector<1x16xf32>,
        %get3A_259 = arith.index_cast %scan3A_236 : i32 to index
        %get3A_260 = arith.constant 32 : index
        %get3A_261 = tpu.vector_load %arg8[%get3A_259, %get3A_260] {strides = array<i32>} : memref<128x128xf32, #tpu.memory_space<vmem>>, vector<1x16xf32>,
        %get3A_262 = vector.shape_cast %get3A_261 : vector<1x16xf32> to vector<16xf32>
        %mul3A_263 = arith.constant 11.3137083 : f32
        %mul3A_264 = vector.broadcast %mul3A_263 : f32 to vector<16xf32>
        %mul3A_265 = arith.mulf %get3A_262, %mul3A_264 : vector<16xf32>
        %swap3A_266 = arith.index_cast %scan3A_236 : i32 to index
        %swap3A_267 = arith.constant 32 : index
        %swap3A_268 = tpu.vector_load %arg8[%swap3A_266, %swap3A_267] {strides = array<i32>} : memref<128x128xf32, #tpu.memory_space<vmem>>, vector<1x16xf32>,
        %swap3A_269 = vector.shape_cast %swap3A_268 : vector<1x16xf32> to vector<16xf32>
        %swap3A_270 = vector.shape_cast %mul3A_265 : vector<16xf32> to vector<1x16xf32>
        tpu.vector_store %arg8[%swap3A_266, %swap3A_267], %swap3A_270 {strides = array<i32>} : memref<128x128xf32, #tpu.memory_space<vmem>>, vector<1x16xf32>,
        %get3A_271 = arith.index_cast %scan3A_236 : i32 to index
        %get3A_272 = arith.constant 48 : index
        %get3A_273 = tpu.vector_load %arg8[%get3A_271, %get3A_272] {strides = array<i32>} : memref<128x128xf32, #tpu.memory_space<vmem>>, vector<1x16xf32>,
        %get3A_274 = vector.shape_cast %get3A_273 : vector<1x16xf32> to vector<16xf32>
        %mul3A_275 = arith.constant 11.3137083 : f32
        %mul3A_276 = vector.broadcast %mul3A_275 : f32 to vector<16xf32>
        %mul3A_277 = arith.mulf %get3A_274, %mul3A_276 : vector<16xf32>
        %swap3A_278 = arith.index_cast %scan3A_236 : i32 to index
        %swap3A_279 = arith.constant 48 : index
        %swap3A_280 = tpu.vector_load %arg8[%swap3A_278, %swap3A_279] {strides = array<i32>} : memref<128x128xf32, #tpu.memory_space<vmem>>, vector<1x16xf32>,
        %swap3A_281 = vector.shape_cast %swap3A_280 : vector<1x16xf32> to vector<16xf32>
        %swap3A_282 = vector.shape_cast %mul3A_277 : vector<16xf32> to vector<1x16xf32>
        tpu.vector_store %arg8[%swap3A_278, %swap3A_279], %swap3A_282 {strides = array<i32>} : memref<128x128xf32, #tpu.memory_space<vmem>>, vector<1x16xf32>,
        %get3A_283 = arith.index_cast %scan3A_236 : i32 to index
        %get3A_284 = arith.constant 64 : index
        %get3A_285 = tpu.vector_load %arg8[%get3A_283, %get3A_284] {strides = array<i32>} : memref<128x128xf32, #tpu.memory_space<vmem>>, vector<1x16xf32>,
        %get3A_286 = vector.shape_cast %get3A_285 : vector<1x16xf32> to vector<16xf32>
        %mul3A_287 = arith.constant 11.3137083 : f32
        %mul3A_288 = vector.broadcast %mul3A_287 : f32 to vector<16xf32>
        %mul3A_289 = arith.mulf %get3A_286, %mul3A_288 : vector<16xf32>
        %swap3A_290 = arith.index_cast %scan3A_236 : i32 to index
        %swap3A_291 = arith.constant 64 : index
        %swap3A_292 = tpu.vector_load %arg8[%swap3A_290, %swap3A_291] {strides = array<i32>} : memref<128x128xf32, #tpu.memory_space<vmem>>, vector<1x16xf32>,
        %swap3A_293 = vector.shape_cast %swap3A_292 : vector<1x16xf32> to vector<16xf32>
        %swap3A_294 = vector.shape_cast %mul3A_289 : vector<16xf32> to vector<1x16xf32>
        tpu.vector_store %arg8[%swap3A_290, %swap3A_291], %swap3A_294 {strides = array<i32>} : memref<128x128xf32, #tpu.memory_space<vmem>>, vector<1x16xf32>,
        %get3A_295 = arith.index_cast %scan3A_236 : i32 to index
        %get3A_296 = arith.constant 80 : index
        %get3A_297 = tpu.vector_load %arg8[%get3A_295, %get3A_296] {strides = array<i32>} : memref<128x128xf32, #tpu.memory_space<vmem>>, vector<1x16xf32>,
        %get3A_298 = vector.shape_cast %get3A_297 : vector<1x16xf32> to vector<16xf32>
        %mul3A_299 = arith.constant 11.3137083 : f32
        %mul3A_300 = vector.broadcast %mul3A_299 : f32 to vector<16xf32>
        %mul3A_301 = arith.mulf %get3A_298, %mul3A_300 : vector<16xf32>
        %swap3A_302 = arith.index_cast %scan3A_236 : i32 to index
        %swap3A_303 = arith.constant 80 : index
        %swap3A_304 = tpu.vector_load %arg8[%swap3A_302, %swap3A_303] {strides = array<i32>} : memref<128x128xf32, #tpu.memory_space<vmem>>, vector<1x16xf32>,
        %swap3A_305 = vector.shape_cast %swap3A_304 : vector<1x16xf32> to vector<16xf32>
        %swap3A_306 = vector.shape_cast %mul3A_301 : vector<16xf32> to vector<1x16xf32>
        tpu.vector_store %arg8[%swap3A_302, %swap3A_303], %swap3A_306 {strides = array<i32>} : memref<128x128xf32, #tpu.memory_space<vmem>>, vector<1x16xf32>,
        %get3A_307 = arith.index_cast %scan3A_236 : i32 to index
        %get3A_308 = arith.constant 96 : index
        %get3A_309 = tpu.vector_load %arg8[%get3A_307, %get3A_308] {strides = array<i32>} : memref<128x128xf32, #tpu.memory_space<vmem>>, vector<1x16xf32>,
        %get3A_310 = vector.shape_cast %get3A_309 : vector<1x16xf32> to vector<16xf32>
        %mul3A_311 = arith.constant 11.3137083 : f32
        %mul3A_312 = vector.broadcast %mul3A_311 : f32 to vector<16xf32>
        %mul3A_313 = arith.mulf %get3A_310, %mul3A_312 : vector<16xf32>
        %swap3A_314 = arith.index_cast %scan3A_236 : i32 to index
        %swap3A_315 = arith.constant 96 : index
        %swap3A_316 = tpu.vector_load %arg8[%swap3A_314, %swap3A_315] {strides = array<i32>} : memref<128x128xf32, #tpu.memory_space<vmem>>, vector<1x16xf32>,
        %swap3A_317 = vector.shape_cast %swap3A_316 : vector<1x16xf32> to vector<16xf32>
        %swap3A_318 = vector.shape_cast %mul3A_313 : vector<16xf32> to vector<1x16xf32>
        tpu.vector_store %arg8[%swap3A_314, %swap3A_315], %swap3A_318 {strides = array<i32>} : memref<128x128xf32, #tpu.memory_space<vmem>>, vector<1x16xf32>,
        %get3A_319 = arith.index_cast %scan3A_236 : i32 to index
        %get3A_320 = arith.constant 112 : index
        %get3A_321 = tpu.vector_load %arg8[%get3A_319, %get3A_320] {strides = array<i32>} : memref<128x128xf32, #tpu.memory_space<vmem>>, vector<1x16xf32>,
        %get3A_322 = vector.shape_cast %get3A_321 : vector<1x16xf32> to vector<16xf32>
        %mul3A_323 = arith.constant 11.3137083 : f32
        %mul3A_324 = vector.broadcast %mul3A_323 : f32 to vector<16xf32>
        %mul3A_325 = arith.mulf %get3A_322, %mul3A_324 : vector<16xf32>
        %swap3A_326 = arith.index_cast %scan3A_236 : i32 to index
        %swap3A_327 = arith.constant 112 : index
        %swap3A_328 = tpu.vector_load %arg8[%swap3A_326, %swap3A_327] {strides = array<i32>} : memref<128x128xf32, #tpu.memory_space<vmem>>, vector<1x16xf32>,
        %swap3A_329 = vector.shape_cast %swap3A_328 : vector<1x16xf32> to vector<16xf32>
        %swap3A_330 = vector.shape_cast %mul3A_325 : vector<16xf32> to vector<1x16xf32>
        tpu.vector_store %arg8[%swap3A_326, %swap3A_327], %swap3A_330 {strides = array<i32>} : memref<128x128xf32, #tpu.memory_space<vmem>>, vector<1x16xf32>,
      }
      %scan3A_153 = arith.constant 128 : i32
      %dma_start3A_154 = arith.constant 0 : i32
      %dma_start3A_155 = tpu.memref_slice %arg4[%add3A_140, %mul3A_2, %dma_start3A_154] : memref<50x4096x128xf32, #tpu.memory_space<hbm>> -> memref<1x128x128xf32, #tpu.memory_space<hbm>>
      %dma_start3A_156 = tpu.memref_squeeze %dma_start3A_155 : memref<1x128x128xf32, #tpu.memory_space<hbm>> -> memref<128x128xf32, #tpu.memory_space<hbm>>
      %dma_start3A_157 = arith.constant 0 : i32
      %dma_start3A_158 = tpu.memref_slice %arg4[%add3A_140, %mul3A_2, %dma_start3A_157] : memref<50x4096x128xf32, #tpu.memory_space<hbm>> -> memref<1x128x128xf32, #tpu.memory_space<hbm>>
      %dma_start3A_159 = tpu.memref_squeeze %dma_start3A_158 : memref<1x128x128xf32, #tpu.memory_space<hbm>> -> memref<128x128xf32, #tpu.memory_space<hbm>>
      tpu.enqueue_dma source(%arg8 : memref<128x128xf32, #tpu.memory_space<vmem>>) target(%dma_start3A_159 : memref<128x128xf32, #tpu.memory_space<hbm>>) target_semaphore(%arg18 : memref<!tpu.dma_semaphore, #tpu.memory_space<semaphore_mem>>)
      %sub3A_160 = arith.constant 1 : i32
      %sub3A_161 = arith.subi %add3A_140, %sub3A_160 : i32
      %ge3A_162 = arith.constant 0 : i32
      %ge3A_163 = arith.cmpi sge, %sub3A_161, %ge3A_162 : i32
      %lt3A_164 = arith.constant 45 : i32
      %lt3A_165 = arith.cmpi slt, %sub3A_161, %lt3A_164 : i32
      %and3A_166 = arith.andi %ge3A_163, %lt3A_165 : i1
      %convert_element_type3A_167 = arith.extui %and3A_166 : i1 to i32
      %cond3A_168 = arith.constant 0 : i32
      %cond3A_169 = arith.cmpi ne, %convert_element_type3A_167, %cond3A_168 : i32
      scf.if %cond3A_169 {
        %dma_wait3A_236 = arith.constant 0 : i32
        %dma_wait3A_237 = tpu.memref_slice %arg4[%sub3A_161, %mul3A_2, %dma_wait3A_236] : memref<50x4096x128xf32, #tpu.memory_space<hbm>> -> memref<1x128x128xf32, #tpu.memory_space<hbm>>
        %dma_wait3A_238 = tpu.memref_squeeze %dma_wait3A_237 : memref<1x128x128xf32, #tpu.memory_space<hbm>> -> memref<128x128xf32, #tpu.memory_space<hbm>>
        %dma_wait3A_239 = arith.constant 0 : i32
        %dma_wait3A_240 = tpu.memref_slice %arg4[%sub3A_161, %mul3A_2, %dma_wait3A_239] : memref<50x4096x128xf32, #tpu.memory_space<hbm>> -> memref<1x128x128xf32, #tpu.memory_space<hbm>>
        %dma_wait3A_241 = tpu.memref_squeeze %dma_wait3A_240 : memref<1x128x128xf32, #tpu.memory_space<hbm>> -> memref<128x128xf32, #tpu.memory_space<hbm>>
        tpu.wait_dma2 semaphore(%arg17 : memref<!tpu.dma_semaphore, #tpu.memory_space<semaphore_mem>>) src(%arg7 : memref<128x128xf32, #tpu.memory_space<vmem>>) dst(%dma_wait3A_241 : memref<128x128xf32, #tpu.memory_space<hbm>>)
        %add3A_242 = arith.constant 5 : i32
        %add3A_243 = arith.addi %sub3A_161, %add3A_242 : i32
        %dma_start3A_244 = arith.constant 0 : i32
        %dma_start3A_245 = tpu.memref_slice %arg5[%add3A_243, %dma_start3A_244] : memref<50x128xi32, #tpu.memory_space<vmem>> -> memref<1x128xi32, #tpu.memory_space<vmem>>
        %dma_start3A_246 = tpu.memref_squeeze %dma_start3A_245 : memref<1x128xi32, #tpu.memory_space<vmem>> -> memref<128xi32, #tpu.memory_space<vmem>>
        %dma_start3A_247 = arith.constant 0 : i32
        %dma_start3A_248 = arith.constant 0 : i32
        %dma_start3A_249 = tpu.memref_slice %arg3[%dma_start3A_247, %dma_start3A_248] : memref<100000x128xf32, #tpu.memory_space<hbm>> -> memref<100000x128xf32, #tpu.memory_space<hbm>>
        tpu.enqueue_indirect_dma source(%dma_start3A_249 : memref<100000x128xf32, #tpu.memory_space<hbm>>) target(%arg7 : memref<128x128xf32, #tpu.memory_space<vmem>>) offsets(%dma_start3A_246 : memref<128xi32, #tpu.memory_space<vmem>>) semaphore(%arg12 : memref<!tpu.dma_semaphore, #tpu.memory_space<semaphore_mem>>)
      } else {
      }
      %mul3A_170 = arith.constant 5 : i32
      %mul3A_171 = arith.muli %scan3A_76, %mul3A_170 : i32
      %add3A_172 = arith.constant 3 : i32
      %add3A_173 = arith.addi %mul3A_171, %add3A_172 : i32
      %dma_wait3A_174 = arith.constant 0 : i32
      %dma_wait3A_175 = arith.constant 0 : i32
      %dma_wait3A_176 = tpu.memref_slice %arg5[%dma_wait3A_174, %dma_wait3A_175] : memref<50x128xi32, #tpu.memory_space<vmem>> -> memref<1x128xi32, #tpu.memory_space<vmem>>
      %dma_wait3A_177 = tpu.memref_squeeze %dma_wait3A_176 : memref<1x128xi32, #tpu.memory_space<vmem>> -> memref<128xi32, #tpu.memory_space<vmem>>
      %dma_wait3A_178 = arith.constant 0 : i32
      %dma_wait3A_179 = arith.constant 0 : i32
      %dma_wait3A_180 = tpu.memref_slice %arg3[%dma_wait3A_178, %dma_wait3A_179] : memref<100000x128xf32, #tpu.memory_space<hbm>> -> memref<100000x128xf32, #tpu.memory_space<hbm>>
      tpu.wait_indirect_dma semaphore(%arg14 : memref<!tpu.dma_semaphore, #tpu.memory_space<semaphore_mem>>) src(%dma_wait3A_180 : memref<100000x128xf32, #tpu.memory_space<hbm>>) dst(%arg9 : memref<128x128xf32, #tpu.memory_space<vmem>>)
      %scan3A_181 = arith.constant 0 : i32
      %scan3A_182 = arith.constant 0 : i32
      %scan3A_183 = arith.constant 128 : i32
      %scan3A_184 = arith.addi %scan3A_182, %scan3A_183 : i32
      %scan3A_185 = arith.constant 1 : i32
      scf.for %scan3A_236 = %scan3A_182 to %scan3A_184 step %scan3A_185  : i32 {
        %get3A = arith.index_cast %scan3A_236 : i32 to index
        %get3A_237 = arith.constant 0 : index
        %get3A_238 = tpu.vector_load %arg9[%get3A, %get3A_237] {strides = array<i32>} : memref<128x128xf32, #tpu.memory_space<vmem>>, vector<1x16xf32>,
        %get3A_239 = vector.shape_cast %get3A_238 : vector<1x16xf32> to vector<16xf32>
        %mul3A_240 = arith.constant 11.3137083 : f32
        %mul3A_241 = vector.broadcast %mul3A_240 : f32 to vector<16xf32>
        %mul3A_242 = arith.mulf %get3A_239, %mul3A_241 : vector<16xf32>
        %swap3A = arith.index_cast %scan3A_236 : i32 to index
        %swap3A_243 = arith.constant 0 : index
        %swap3A_244 = tpu.vector_load %arg9[%swap3A, %swap3A_243] {strides = array<i32>} : memref<128x128xf32, #tpu.memory_space<vmem>>, vector<1x16xf32>,
        %swap3A_245 = vector.shape_cast %swap3A_244 : vector<1x16xf32> to vector<16xf32>
        %swap3A_246 = vector.shape_cast %mul3A_242 : vector<16xf32> to vector<1x16xf32>
        tpu.vector_store %arg9[%swap3A, %swap3A_243], %swap3A_246 {strides = array<i32>} : memref<128x128xf32, #tpu.memory_space<vmem>>, vector<1x16xf32>,
        %get3A_247 = arith.index_cast %scan3A_236 : i32 to index
        %get3A_248 = arith.constant 16 : index
        %get3A_249 = tpu.vector_load %arg9[%get3A_247, %get3A_248] {strides = array<i32>} : memref<128x128xf32, #tpu.memory_space<vmem>>, vector<1x16xf32>,
        %get3A_250 = vector.shape_cast %get3A_249 : vector<1x16xf32> to vector<16xf32>
        %mul3A_251 = arith.constant 11.3137083 : f32
        %mul3A_252 = vector.broadcast %mul3A_251 : f32 to vector<16xf32>
        %mul3A_253 = arith.mulf %get3A_250, %mul3A_252 : vector<16xf32>
        %swap3A_254 = arith.index_cast %scan3A_236 : i32 to index
        %swap3A_255 = arith.constant 16 : index
        %swap3A_256 = tpu.vector_load %arg9[%swap3A_254, %swap3A_255] {strides = array<i32>} : memref<128x128xf32, #tpu.memory_space<vmem>>, vector<1x16xf32>,
        %swap3A_257 = vector.shape_cast %swap3A_256 : vector<1x16xf32> to vector<16xf32>
        %swap3A_258 = vector.shape_cast %mul3A_253 : vector<16xf32> to vector<1x16xf32>
        tpu.vector_store %arg9[%swap3A_254, %swap3A_255], %swap3A_258 {strides = array<i32>} : memref<128x128xf32, #tpu.memory_space<vmem>>, vector<1x16xf32>,
        %get3A_259 = arith.index_cast %scan3A_236 : i32 to index
        %get3A_260 = arith.constant 32 : index
        %get3A_261 = tpu.vector_load %arg9[%get3A_259, %get3A_260] {strides = array<i32>} : memref<128x128xf32, #tpu.memory_space<vmem>>, vector<1x16xf32>,
        %get3A_262 = vector.shape_cast %get3A_261 : vector<1x16xf32> to vector<16xf32>
        %mul3A_263 = arith.constant 11.3137083 : f32
        %mul3A_264 = vector.broadcast %mul3A_263 : f32 to vector<16xf32>
        %mul3A_265 = arith.mulf %get3A_262, %mul3A_264 : vector<16xf32>
        %swap3A_266 = arith.index_cast %scan3A_236 : i32 to index
        %swap3A_267 = arith.constant 32 : index
        %swap3A_268 = tpu.vector_load %arg9[%swap3A_266, %swap3A_267] {strides = array<i32>} : memref<128x128xf32, #tpu.memory_space<vmem>>, vector<1x16xf32>,
        %swap3A_269 = vector.shape_cast %swap3A_268 : vector<1x16xf32> to vector<16xf32>
        %swap3A_270 = vector.shape_cast %mul3A_265 : vector<16xf32> to vector<1x16xf32>
        tpu.vector_store %arg9[%swap3A_266, %swap3A_267], %swap3A_270 {strides = array<i32>} : memref<128x128xf32, #tpu.memory_space<vmem>>, vector<1x16xf32>,
        %get3A_271 = arith.index_cast %scan3A_236 : i32 to index
        %get3A_272 = arith.constant 48 : index
        %get3A_273 = tpu.vector_load %arg9[%get3A_271, %get3A_272] {strides = array<i32>} : memref<128x128xf32, #tpu.memory_space<vmem>>, vector<1x16xf32>,
        %get3A_274 = vector.shape_cast %get3A_273 : vector<1x16xf32> to vector<16xf32>
        %mul3A_275 = arith.constant 11.3137083 : f32
        %mul3A_276 = vector.broadcast %mul3A_275 : f32 to vector<16xf32>
        %mul3A_277 = arith.mulf %get3A_274, %mul3A_276 : vector<16xf32>
        %swap3A_278 = arith.index_cast %scan3A_236 : i32 to index
        %swap3A_279 = arith.constant 48 : index
        %swap3A_280 = tpu.vector_load %arg9[%swap3A_278, %swap3A_279] {strides = array<i32>} : memref<128x128xf32, #tpu.memory_space<vmem>>, vector<1x16xf32>,
        %swap3A_281 = vector.shape_cast %swap3A_280 : vector<1x16xf32> to vector<16xf32>
        %swap3A_282 = vector.shape_cast %mul3A_277 : vector<16xf32> to vector<1x16xf32>
        tpu.vector_store %arg9[%swap3A_278, %swap3A_279], %swap3A_282 {strides = array<i32>} : memref<128x128xf32, #tpu.memory_space<vmem>>, vector<1x16xf32>,
        %get3A_283 = arith.index_cast %scan3A_236 : i32 to index
        %get3A_284 = arith.constant 64 : index
        %get3A_285 = tpu.vector_load %arg9[%get3A_283, %get3A_284] {strides = array<i32>} : memref<128x128xf32, #tpu.memory_space<vmem>>, vector<1x16xf32>,
        %get3A_286 = vector.shape_cast %get3A_285 : vector<1x16xf32> to vector<16xf32>
        %mul3A_287 = arith.constant 11.3137083 : f32
        %mul3A_288 = vector.broadcast %mul3A_287 : f32 to vector<16xf32>
        %mul3A_289 = arith.mulf %get3A_286, %mul3A_288 : vector<16xf32>
        %swap3A_290 = arith.index_cast %scan3A_236 : i32 to index
        %swap3A_291 = arith.constant 64 : index
        %swap3A_292 = tpu.vector_load %arg9[%swap3A_290, %swap3A_291] {strides = array<i32>} : memref<128x128xf32, #tpu.memory_space<vmem>>, vector<1x16xf32>,
        %swap3A_293 = vector.shape_cast %swap3A_292 : vector<1x16xf32> to vector<16xf32>
        %swap3A_294 = vector.shape_cast %mul3A_289 : vector<16xf32> to vector<1x16xf32>
        tpu.vector_store %arg9[%swap3A_290, %swap3A_291], %swap3A_294 {strides = array<i32>} : memref<128x128xf32, #tpu.memory_space<vmem>>, vector<1x16xf32>,
        %get3A_295 = arith.index_cast %scan3A_236 : i32 to index
        %get3A_296 = arith.constant 80 : index
        %get3A_297 = tpu.vector_load %arg9[%get3A_295, %get3A_296] {strides = array<i32>} : memref<128x128xf32, #tpu.memory_space<vmem>>, vector<1x16xf32>,
        %get3A_298 = vector.shape_cast %get3A_297 : vector<1x16xf32> to vector<16xf32>
        %mul3A_299 = arith.constant 11.3137083 : f32
        %mul3A_300 = vector.broadcast %mul3A_299 : f32 to vector<16xf32>
        %mul3A_301 = arith.mulf %get3A_298, %mul3A_300 : vector<16xf32>
        %swap3A_302 = arith.index_cast %scan3A_236 : i32 to index
        %swap3A_303 = arith.constant 80 : index
        %swap3A_304 = tpu.vector_load %arg9[%swap3A_302, %swap3A_303] {strides = array<i32>} : memref<128x128xf32, #tpu.memory_space<vmem>>, vector<1x16xf32>,
        %swap3A_305 = vector.shape_cast %swap3A_304 : vector<1x16xf32> to vector<16xf32>
        %swap3A_306 = vector.shape_cast %mul3A_301 : vector<16xf32> to vector<1x16xf32>
        tpu.vector_store %arg9[%swap3A_302, %swap3A_303], %swap3A_306 {strides = array<i32>} : memref<128x128xf32, #tpu.memory_space<vmem>>, vector<1x16xf32>,
        %get3A_307 = arith.index_cast %scan3A_236 : i32 to index
        %get3A_308 = arith.constant 96 : index
        %get3A_309 = tpu.vector_load %arg9[%get3A_307, %get3A_308] {strides = array<i32>} : memref<128x128xf32, #tpu.memory_space<vmem>>, vector<1x16xf32>,
        %get3A_310 = vector.shape_cast %get3A_309 : vector<1x16xf32> to vector<16xf32>
        %mul3A_311 = arith.constant 11.3137083 : f32
        %mul3A_312 = vector.broadcast %mul3A_311 : f32 to vector<16xf32>
        %mul3A_313 = arith.mulf %get3A_310, %mul3A_312 : vector<16xf32>
        %swap3A_314 = arith.index_cast %scan3A_236 : i32 to index
        %swap3A_315 = arith.constant 96 : index
        %swap3A_316 = tpu.vector_load %arg9[%swap3A_314, %swap3A_315] {strides = array<i32>} : memref<128x128xf32, #tpu.memory_space<vmem>>, vector<1x16xf32>,
        %swap3A_317 = vector.shape_cast %swap3A_316 : vector<1x16xf32> to vector<16xf32>
        %swap3A_318 = vector.shape_cast %mul3A_313 : vector<16xf32> to vector<1x16xf32>
        tpu.vector_store %arg9[%swap3A_314, %swap3A_315], %swap3A_318 {strides = array<i32>} : memref<128x128xf32, #tpu.memory_space<vmem>>, vector<1x16xf32>,
        %get3A_319 = arith.index_cast %scan3A_236 : i32 to index
        %get3A_320 = arith.constant 112 : index
        %get3A_321 = tpu.vector_load %arg9[%get3A_319, %get3A_320] {strides = array<i32>} : memref<128x128xf32, #tpu.memory_space<vmem>>, vector<1x16xf32>,
        %get3A_322 = vector.shape_cast %get3A_321 : vector<1x16xf32> to vector<16xf32>
        %mul3A_323 = arith.constant 11.3137083 : f32
        %mul3A_324 = vector.broadcast %mul3A_323 : f32 to vector<16xf32>
        %mul3A_325 = arith.mulf %get3A_322, %mul3A_324 : vector<16xf32>
        %swap3A_326 = arith.index_cast %scan3A_236 : i32 to index
        %swap3A_327 = arith.constant 112 : index
        %swap3A_328 = tpu.vector_load %arg9[%swap3A_326, %swap3A_327] {strides = array<i32>} : memref<128x128xf32, #tpu.memory_space<vmem>>, vector<1x16xf32>,
        %swap3A_329 = vector.shape_cast %swap3A_328 : vector<1x16xf32> to vector<16xf32>
        %swap3A_330 = vector.shape_cast %mul3A_325 : vector<16xf32> to vector<1x16xf32>
        tpu.vector_store %arg9[%swap3A_326, %swap3A_327], %swap3A_330 {strides = array<i32>} : memref<128x128xf32, #tpu.memory_space<vmem>>, vector<1x16xf32>,
      }
      %scan3A_186 = arith.constant 128 : i32
      %dma_start3A_187 = arith.constant 0 : i32
      %dma_start3A_188 = tpu.memref_slice %arg4[%add3A_173, %mul3A_2, %dma_start3A_187] : memref<50x4096x128xf32, #tpu.memory_space<hbm>> -> memref<1x128x128xf32, #tpu.memory_space<hbm>>
      %dma_start3A_189 = tpu.memref_squeeze %dma_start3A_188 : memref<1x128x128xf32, #tpu.memory_space<hbm>> -> memref<128x128xf32, #tpu.memory_space<hbm>>
      %dma_start3A_190 = arith.constant 0 : i32
      %dma_start3A_191 = tpu.memref_slice %arg4[%add3A_173, %mul3A_2, %dma_start3A_190] : memref<50x4096x128xf32, #tpu.memory_space<hbm>> -> memref<1x128x128xf32, #tpu.memory_space<hbm>>
      %dma_start3A_192 = tpu.memref_squeeze %dma_start3A_191 : memref<1x128x128xf32, #tpu.memory_space<hbm>> -> memref<128x128xf32, #tpu.memory_space<hbm>>
      tpu.enqueue_dma source(%arg9 : memref<128x128xf32, #tpu.memory_space<vmem>>) target(%dma_start3A_192 : memref<128x128xf32, #tpu.memory_space<hbm>>) target_semaphore(%arg19 : memref<!tpu.dma_semaphore, #tpu.memory_space<semaphore_mem>>)
      %sub3A_193 = arith.constant 1 : i32
      %sub3A_194 = arith.subi %add3A_173, %sub3A_193 : i32
      %ge3A_195 = arith.constant 0 : i32
      %ge3A_196 = arith.cmpi sge, %sub3A_194, %ge3A_195 : i32
      %lt3A_197 = arith.constant 45 : i32
      %lt3A_198 = arith.cmpi slt, %sub3A_194, %lt3A_197 : i32
      %and3A_199 = arith.andi %ge3A_196, %lt3A_198 : i1
      %convert_element_type3A_200 = arith.extui %and3A_199 : i1 to i32
      %cond3A_201 = arith.constant 0 : i32
      %cond3A_202 = arith.cmpi ne, %convert_element_type3A_200, %cond3A_201 : i32
      scf.if %cond3A_202 {
        %dma_wait3A_236 = arith.constant 0 : i32
        %dma_wait3A_237 = tpu.memref_slice %arg4[%sub3A_194, %mul3A_2, %dma_wait3A_236] : memref<50x4096x128xf32, #tpu.memory_space<hbm>> -> memref<1x128x128xf32, #tpu.memory_space<hbm>>
        %dma_wait3A_238 = tpu.memref_squeeze %dma_wait3A_237 : memref<1x128x128xf32, #tpu.memory_space<hbm>> -> memref<128x128xf32, #tpu.memory_space<hbm>>
        %dma_wait3A_239 = arith.constant 0 : i32
        %dma_wait3A_240 = tpu.memref_slice %arg4[%sub3A_194, %mul3A_2, %dma_wait3A_239] : memref<50x4096x128xf32, #tpu.memory_space<hbm>> -> memref<1x128x128xf32, #tpu.memory_space<hbm>>
        %dma_wait3A_241 = tpu.memref_squeeze %dma_wait3A_240 : memref<1x128x128xf32, #tpu.memory_space<hbm>> -> memref<128x128xf32, #tpu.memory_space<hbm>>
        tpu.wait_dma2 semaphore(%arg18 : memref<!tpu.dma_semaphore, #tpu.memory_space<semaphore_mem>>) src(%arg8 : memref<128x128xf32, #tpu.memory_space<vmem>>) dst(%dma_wait3A_241 : memref<128x128xf32, #tpu.memory_space<hbm>>)
        %add3A_242 = arith.constant 5 : i32
        %add3A_243 = arith.addi %sub3A_194, %add3A_242 : i32
        %dma_start3A_244 = arith.constant 0 : i32
        %dma_start3A_245 = tpu.memref_slice %arg5[%add3A_243, %dma_start3A_244] : memref<50x128xi32, #tpu.memory_space<vmem>> -> memref<1x128xi32, #tpu.memory_space<vmem>>
        %dma_start3A_246 = tpu.memref_squeeze %dma_start3A_245 : memref<1x128xi32, #tpu.memory_space<vmem>> -> memref<128xi32, #tpu.memory_space<vmem>>
        %dma_start3A_247 = arith.constant 0 : i32
        %dma_start3A_248 = arith.constant 0 : i32
        %dma_start3A_249 = tpu.memref_slice %arg3[%dma_start3A_247, %dma_start3A_248] : memref<100000x128xf32, #tpu.memory_space<hbm>> -> memref<100000x128xf32, #tpu.memory_space<hbm>>
        tpu.enqueue_indirect_dma source(%dma_start3A_249 : memref<100000x128xf32, #tpu.memory_space<hbm>>) target(%arg8 : memref<128x128xf32, #tpu.memory_space<vmem>>) offsets(%dma_start3A_246 : memref<128xi32, #tpu.memory_space<vmem>>) semaphore(%arg13 : memref<!tpu.dma_semaphore, #tpu.memory_space<semaphore_mem>>)
      } else {
      }
      %mul3A_203 = arith.constant 5 : i32
      %mul3A_204 = arith.muli %scan3A_76, %mul3A_203 : i32
      %add3A_205 = arith.constant 4 : i32
      %add3A_206 = arith.addi %mul3A_204, %add3A_205 : i32
      %dma_wait3A_207 = arith.constant 0 : i32
      %dma_wait3A_208 = arith.constant 0 : i32
      %dma_wait3A_209 = tpu.memref_slice %arg5[%dma_wait3A_207, %dma_wait3A_208] : memref<50x128xi32, #tpu.memory_space<vmem>> -> memref<1x128xi32, #tpu.memory_space<vmem>>
      %dma_wait3A_210 = tpu.memref_squeeze %dma_wait3A_209 : memref<1x128xi32, #tpu.memory_space<vmem>> -> memref<128xi32, #tpu.memory_space<vmem>>
      %dma_wait3A_211 = arith.constant 0 : i32
      %dma_wait3A_212 = arith.constant 0 : i32
      %dma_wait3A_213 = tpu.memref_slice %arg3[%dma_wait3A_211, %dma_wait3A_212] : memref<100000x128xf32, #tpu.memory_space<hbm>> -> memref<100000x128xf32, #tpu.memory_space<hbm>>
      tpu.wait_indirect_dma semaphore(%arg15 : memref<!tpu.dma_semaphore, #tpu.memory_space<semaphore_mem>>) src(%dma_wait3A_213 : memref<100000x128xf32, #tpu.memory_space<hbm>>) dst(%arg10 : memref<128x128xf32, #tpu.memory_space<vmem>>)
      %scan3A_214 = arith.constant 0 : i32
      %scan3A_215 = arith.constant 0 : i32
      %scan3A_216 = arith.constant 128 : i32
      %scan3A_217 = arith.addi %scan3A_215, %scan3A_216 : i32
      %scan3A_218 = arith.constant 1 : i32
      scf.for %scan3A_236 = %scan3A_215 to %scan3A_217 step %scan3A_218  : i32 {
        %get3A = arith.index_cast %scan3A_236 : i32 to index
        %get3A_237 = arith.constant 0 : index
        %get3A_238 = tpu.vector_load %arg10[%get3A, %get3A_237] {strides = array<i32>} : memref<128x128xf32, #tpu.memory_space<vmem>>, vector<1x16xf32>,
        %get3A_239 = vector.shape_cast %get3A_238 : vector<1x16xf32> to vector<16xf32>
        %mul3A_240 = arith.constant 11.3137083 : f32
        %mul3A_241 = vector.broadcast %mul3A_240 : f32 to vector<16xf32>
        %mul3A_242 = arith.mulf %get3A_239, %mul3A_241 : vector<16xf32>
        %swap3A = arith.index_cast %scan3A_236 : i32 to index
        %swap3A_243 = arith.constant 0 : index
        %swap3A_244 = tpu.vector_load %arg10[%swap3A, %swap3A_243] {strides = array<i32>} : memref<128x128xf32, #tpu.memory_space<vmem>>, vector<1x16xf32>,
        %swap3A_245 = vector.shape_cast %swap3A_244 : vector<1x16xf32> to vector<16xf32>
        %swap3A_246 = vector.shape_cast %mul3A_242 : vector<16xf32> to vector<1x16xf32>
        tpu.vector_store %arg10[%swap3A, %swap3A_243], %swap3A_246 {strides = array<i32>} : memref<128x128xf32, #tpu.memory_space<vmem>>, vector<1x16xf32>,
        %get3A_247 = arith.index_cast %scan3A_236 : i32 to index
        %get3A_248 = arith.constant 16 : index
        %get3A_249 = tpu.vector_load %arg10[%get3A_247, %get3A_248] {strides = array<i32>} : memref<128x128xf32, #tpu.memory_space<vmem>>, vector<1x16xf32>,
        %get3A_250 = vector.shape_cast %get3A_249 : vector<1x16xf32> to vector<16xf32>
        %mul3A_251 = arith.constant 11.3137083 : f32
        %mul3A_252 = vector.broadcast %mul3A_251 : f32 to vector<16xf32>
        %mul3A_253 = arith.mulf %get3A_250, %mul3A_252 : vector<16xf32>
        %swap3A_254 = arith.index_cast %scan3A_236 : i32 to index
        %swap3A_255 = arith.constant 16 : index
        %swap3A_256 = tpu.vector_load %arg10[%swap3A_254, %swap3A_255] {strides = array<i32>} : memref<128x128xf32, #tpu.memory_space<vmem>>, vector<1x16xf32>,
        %swap3A_257 = vector.shape_cast %swap3A_256 : vector<1x16xf32> to vector<16xf32>
        %swap3A_258 = vector.shape_cast %mul3A_253 : vector<16xf32> to vector<1x16xf32>
        tpu.vector_store %arg10[%swap3A_254, %swap3A_255], %swap3A_258 {strides = array<i32>} : memref<128x128xf32, #tpu.memory_space<vmem>>, vector<1x16xf32>,
        %get3A_259 = arith.index_cast %scan3A_236 : i32 to index
        %get3A_260 = arith.constant 32 : index
        %get3A_261 = tpu.vector_load %arg10[%get3A_259, %get3A_260] {strides = array<i32>} : memref<128x128xf32, #tpu.memory_space<vmem>>, vector<1x16xf32>,
        %get3A_262 = vector.shape_cast %get3A_261 : vector<1x16xf32> to vector<16xf32>
        %mul3A_263 = arith.constant 11.3137083 : f32
        %mul3A_264 = vector.broadcast %mul3A_263 : f32 to vector<16xf32>
        %mul3A_265 = arith.mulf %get3A_262, %mul3A_264 : vector<16xf32>
        %swap3A_266 = arith.index_cast %scan3A_236 : i32 to index
        %swap3A_267 = arith.constant 32 : index
        %swap3A_268 = tpu.vector_load %arg10[%swap3A_266, %swap3A_267] {strides = array<i32>} : memref<128x128xf32, #tpu.memory_space<vmem>>, vector<1x16xf32>,
        %swap3A_269 = vector.shape_cast %swap3A_268 : vector<1x16xf32> to vector<16xf32>
        %swap3A_270 = vector.shape_cast %mul3A_265 : vector<16xf32> to vector<1x16xf32>
        tpu.vector_store %arg10[%swap3A_266, %swap3A_267], %swap3A_270 {strides = array<i32>} : memref<128x128xf32, #tpu.memory_space<vmem>>, vector<1x16xf32>,
        %get3A_271 = arith.index_cast %scan3A_236 : i32 to index
        %get3A_272 = arith.constant 48 : index
        %get3A_273 = tpu.vector_load %arg10[%get3A_271, %get3A_272] {strides = array<i32>} : memref<128x128xf32, #tpu.memory_space<vmem>>, vector<1x16xf32>,
        %get3A_274 = vector.shape_cast %get3A_273 : vector<1x16xf32> to vector<16xf32>
        %mul3A_275 = arith.constant 11.3137083 : f32
        %mul3A_276 = vector.broadcast %mul3A_275 : f32 to vector<16xf32>
        %mul3A_277 = arith.mulf %get3A_274, %mul3A_276 : vector<16xf32>
        %swap3A_278 = arith.index_cast %scan3A_236 : i32 to index
        %swap3A_279 = arith.constant 48 : index
        %swap3A_280 = tpu.vector_load %arg10[%swap3A_278, %swap3A_279] {strides = array<i32>} : memref<128x128xf32, #tpu.memory_space<vmem>>, vector<1x16xf32>,
        %swap3A_281 = vector.shape_cast %swap3A_280 : vector<1x16xf32> to vector<16xf32>
        %swap3A_282 = vector.shape_cast %mul3A_277 : vector<16xf32> to vector<1x16xf32>
        tpu.vector_store %arg10[%swap3A_278, %swap3A_279], %swap3A_282 {strides = array<i32>} : memref<128x128xf32, #tpu.memory_space<vmem>>, vector<1x16xf32>,
        %get3A_283 = arith.index_cast %scan3A_236 : i32 to index
        %get3A_284 = arith.constant 64 : index
        %get3A_285 = tpu.vector_load %arg10[%get3A_283, %get3A_284] {strides = array<i32>} : memref<128x128xf32, #tpu.memory_space<vmem>>, vector<1x16xf32>,
        %get3A_286 = vector.shape_cast %get3A_285 : vector<1x16xf32> to vector<16xf32>
        %mul3A_287 = arith.constant 11.3137083 : f32
        %mul3A_288 = vector.broadcast %mul3A_287 : f32 to vector<16xf32>
        %mul3A_289 = arith.mulf %get3A_286, %mul3A_288 : vector<16xf32>
        %swap3A_290 = arith.index_cast %scan3A_236 : i32 to index
        %swap3A_291 = arith.constant 64 : index
        %swap3A_292 = tpu.vector_load %arg10[%swap3A_290, %swap3A_291] {strides = array<i32>} : memref<128x128xf32, #tpu.memory_space<vmem>>, vector<1x16xf32>,
        %swap3A_293 = vector.shape_cast %swap3A_292 : vector<1x16xf32> to vector<16xf32>
        %swap3A_294 = vector.shape_cast %mul3A_289 : vector<16xf32> to vector<1x16xf32>
        tpu.vector_store %arg10[%swap3A_290, %swap3A_291], %swap3A_294 {strides = array<i32>} : memref<128x128xf32, #tpu.memory_space<vmem>>, vector<1x16xf32>,
        %get3A_295 = arith.index_cast %scan3A_236 : i32 to index
        %get3A_296 = arith.constant 80 : index
        %get3A_297 = tpu.vector_load %arg10[%get3A_295, %get3A_296] {strides = array<i32>} : memref<128x128xf32, #tpu.memory_space<vmem>>, vector<1x16xf32>,
        %get3A_298 = vector.shape_cast %get3A_297 : vector<1x16xf32> to vector<16xf32>
        %mul3A_299 = arith.constant 11.3137083 : f32
        %mul3A_300 = vector.broadcast %mul3A_299 : f32 to vector<16xf32>
        %mul3A_301 = arith.mulf %get3A_298, %mul3A_300 : vector<16xf32>
        %swap3A_302 = arith.index_cast %scan3A_236 : i32 to index
        %swap3A_303 = arith.constant 80 : index
        %swap3A_304 = tpu.vector_load %arg10[%swap3A_302, %swap3A_303] {strides = array<i32>} : memref<128x128xf32, #tpu.memory_space<vmem>>, vector<1x16xf32>,
        %swap3A_305 = vector.shape_cast %swap3A_304 : vector<1x16xf32> to vector<16xf32>
        %swap3A_306 = vector.shape_cast %mul3A_301 : vector<16xf32> to vector<1x16xf32>
        tpu.vector_store %arg10[%swap3A_302, %swap3A_303], %swap3A_306 {strides = array<i32>} : memref<128x128xf32, #tpu.memory_space<vmem>>, vector<1x16xf32>,
        %get3A_307 = arith.index_cast %scan3A_236 : i32 to index
        %get3A_308 = arith.constant 96 : index
        %get3A_309 = tpu.vector_load %arg10[%get3A_307, %get3A_308] {strides = array<i32>} : memref<128x128xf32, #tpu.memory_space<vmem>>, vector<1x16xf32>,
        %get3A_310 = vector.shape_cast %get3A_309 : vector<1x16xf32> to vector<16xf32>
        %mul3A_311 = arith.constant 11.3137083 : f32
        %mul3A_312 = vector.broadcast %mul3A_311 : f32 to vector<16xf32>
        %mul3A_313 = arith.mulf %get3A_310, %mul3A_312 : vector<16xf32>
        %swap3A_314 = arith.index_cast %scan3A_236 : i32 to index
        %swap3A_315 = arith.constant 96 : index
        %swap3A_316 = tpu.vector_load %arg10[%swap3A_314, %swap3A_315] {strides = array<i32>} : memref<128x128xf32, #tpu.memory_space<vmem>>, vector<1x16xf32>,
        %swap3A_317 = vector.shape_cast %swap3A_316 : vector<1x16xf32> to vector<16xf32>
        %swap3A_318 = vector.shape_cast %mul3A_313 : vector<16xf32> to vector<1x16xf32>
        tpu.vector_store %arg10[%swap3A_314, %swap3A_315], %swap3A_318 {strides = array<i32>} : memref<128x128xf32, #tpu.memory_space<vmem>>, vector<1x16xf32>,
        %get3A_319 = arith.index_cast %scan3A_236 : i32 to index
        %get3A_320 = arith.constant 112 : index
        %get3A_321 = tpu.vector_load %arg10[%get3A_319, %get3A_320] {strides = array<i32>} : memref<128x128xf32, #tpu.memory_space<vmem>>, vector<1x16xf32>,
        %get3A_322 = vector.shape_cast %get3A_321 : vector<1x16xf32> to vector<16xf32>
        %mul3A_323 = arith.constant 11.3137083 : f32
        %mul3A_324 = vector.broadcast %mul3A_323 : f32 to vector<16xf32>
        %mul3A_325 = arith.mulf %get3A_322, %mul3A_324 : vector<16xf32>
        %swap3A_326 = arith.index_cast %scan3A_236 : i32 to index
        %swap3A_327 = arith.constant 112 : index
        %swap3A_328 = tpu.vector_load %arg10[%swap3A_326, %swap3A_327] {strides = array<i32>} : memref<128x128xf32, #tpu.memory_space<vmem>>, vector<1x16xf32>,
        %swap3A_329 = vector.shape_cast %swap3A_328 : vector<1x16xf32> to vector<16xf32>
        %swap3A_330 = vector.shape_cast %mul3A_325 : vector<16xf32> to vector<1x16xf32>
        tpu.vector_store %arg10[%swap3A_326, %swap3A_327], %swap3A_330 {strides = array<i32>} : memref<128x128xf32, #tpu.memory_space<vmem>>, vector<1x16xf32>,
      }
      %scan3A_219 = arith.constant 128 : i32
      %dma_start3A_220 = arith.constant 0 : i32
      %dma_start3A_221 = tpu.memref_slice %arg4[%add3A_206, %mul3A_2, %dma_start3A_220] : memref<50x4096x128xf32, #tpu.memory_space<hbm>> -> memref<1x128x128xf32, #tpu.memory_space<hbm>>
      %dma_start3A_222 = tpu.memref_squeeze %dma_start3A_221 : memref<1x128x128xf32, #tpu.memory_space<hbm>> -> memref<128x128xf32, #tpu.memory_space<hbm>>
      %dma_start3A_223 = arith.constant 0 : i32
      %dma_start3A_224 = tpu.memref_slice %arg4[%add3A_206, %mul3A_2, %dma_start3A_223] : memref<50x4096x128xf32, #tpu.memory_space<hbm>> -> memref<1x128x128xf32, #tpu.memory_space<hbm>>
      %dma_start3A_225 = tpu.memref_squeeze %dma_start3A_224 : memref<1x128x128xf32, #tpu.memory_space<hbm>> -> memref<128x128xf32, #tpu.memory_space<hbm>>
      tpu.enqueue_dma source(%arg10 : memref<128x128xf32, #tpu.memory_space<vmem>>) target(%dma_start3A_225 : memref<128x128xf32, #tpu.memory_space<hbm>>) target_semaphore(%arg20 : memref<!tpu.dma_semaphore, #tpu.memory_space<semaphore_mem>>)
      %sub3A_226 = arith.constant 1 : i32
      %sub3A_227 = arith.subi %add3A_206, %sub3A_226 : i32
      %ge3A_228 = arith.constant 0 : i32
      %ge3A_229 = arith.cmpi sge, %sub3A_227, %ge3A_228 : i32
      %lt3A_230 = arith.constant 45 : i32
      %lt3A_231 = arith.cmpi slt, %sub3A_227, %lt3A_230 : i32
      %and3A_232 = arith.andi %ge3A_229, %lt3A_231 : i1
      %convert_element_type3A_233 = arith.extui %and3A_232 : i1 to i32
      %cond3A_234 = arith.constant 0 : i32
      %cond3A_235 = arith.cmpi ne, %convert_element_type3A_233, %cond3A_234 : i32
      scf.if %cond3A_235 {
        %dma_wait3A_236 = arith.constant 0 : i32
        %dma_wait3A_237 = tpu.memref_slice %arg4[%sub3A_227, %mul3A_2, %dma_wait3A_236] : memref<50x4096x128xf32, #tpu.memory_space<hbm>> -> memref<1x128x128xf32, #tpu.memory_space<hbm>>
        %dma_wait3A_238 = tpu.memref_squeeze %dma_wait3A_237 : memref<1x128x128xf32, #tpu.memory_space<hbm>> -> memref<128x128xf32, #tpu.memory_space<hbm>>
        %dma_wait3A_239 = arith.constant 0 : i32
        %dma_wait3A_240 = tpu.memref_slice %arg4[%sub3A_227, %mul3A_2, %dma_wait3A_239] : memref<50x4096x128xf32, #tpu.memory_space<hbm>> -> memref<1x128x128xf32, #tpu.memory_space<hbm>>
        %dma_wait3A_241 = tpu.memref_squeeze %dma_wait3A_240 : memref<1x128x128xf32, #tpu.memory_space<hbm>> -> memref<128x128xf32, #tpu.memory_space<hbm>>
        tpu.wait_dma2 semaphore(%arg19 : memref<!tpu.dma_semaphore, #tpu.memory_space<semaphore_mem>>) src(%arg9 : memref<128x128xf32, #tpu.memory_space<vmem>>) dst(%dma_wait3A_241 : memref<128x128xf32, #tpu.memory_space<hbm>>)
        %add3A_242 = arith.constant 5 : i32
        %add3A_243 = arith.addi %sub3A_227, %add3A_242 : i32
        %dma_start3A_244 = arith.constant 0 : i32
        %dma_start3A_245 = tpu.memref_slice %arg5[%add3A_243, %dma_start3A_244] : memref<50x128xi32, #tpu.memory_space<vmem>> -> memref<1x128xi32, #tpu.memory_space<vmem>>
        %dma_start3A_246 = tpu.memref_squeeze %dma_start3A_245 : memref<1x128xi32, #tpu.memory_space<vmem>> -> memref<128xi32, #tpu.memory_space<vmem>>
        %dma_start3A_247 = arith.constant 0 : i32
        %dma_start3A_248 = arith.constant 0 : i32
        %dma_start3A_249 = tpu.memref_slice %arg3[%dma_start3A_247, %dma_start3A_248] : memref<100000x128xf32, #tpu.memory_space<hbm>> -> memref<100000x128xf32, #tpu.memory_space<hbm>>
        tpu.enqueue_indirect_dma source(%dma_start3A_249 : memref<100000x128xf32, #tpu.memory_space<hbm>>) target(%arg9 : memref<128x128xf32, #tpu.memory_space<vmem>>) offsets(%dma_start3A_246 : memref<128xi32, #tpu.memory_space<vmem>>) semaphore(%arg14 : memref<!tpu.dma_semaphore, #tpu.memory_space<semaphore_mem>>)
      } else {
      }
    }
    %scan3A_41 = arith.constant 10 : i32
    %dma_wait3A = arith.constant 0 : i32
    %dma_wait3A_42 = arith.constant 0 : i32
    %dma_wait3A_43 = tpu.memref_slice %arg4[%dma_wait3A, %mul3A_2, %dma_wait3A_42] : memref<50x4096x128xf32, #tpu.memory_space<hbm>> -> memref<1x128x128xf32, #tpu.memory_space<hbm>>
    %dma_wait3A_44 = tpu.memref_squeeze %dma_wait3A_43 : memref<1x128x128xf32, #tpu.memory_space<hbm>> -> memref<128x128xf32, #tpu.memory_space<hbm>>
    %dma_wait3A_45 = arith.constant 0 : i32
    %dma_wait3A_46 = tpu.memref_slice %arg4[%dma_wait3A, %mul3A_2, %dma_wait3A_45] : memref<50x4096x128xf32, #tpu.memory_space<hbm>> -> memref<1x128x128xf32, #tpu.memory_space<hbm>>
    %dma_wait3A_47 = tpu.memref_squeeze %dma_wait3A_46 : memref<1x128x128xf32, #tpu.memory_space<hbm>> -> memref<128x128xf32, #tpu.memory_space<hbm>>
    tpu.wait_dma2 semaphore(%arg16 : memref<!tpu.dma_semaphore, #tpu.memory_space<semaphore_mem>>) src(%arg6 : memref<128x128xf32, #tpu.memory_space<vmem>>) dst(%dma_wait3A_47 : memref<128x128xf32, #tpu.memory_space<hbm>>)
    %dma_wait3A_48 = arith.constant 0 : i32
    %dma_wait3A_49 = arith.constant 0 : i32
    %dma_wait3A_50 = tpu.memref_slice %arg4[%dma_wait3A_48, %mul3A_2, %dma_wait3A_49] : memref<50x4096x128xf32, #tpu.memory_space<hbm>> -> memref<1x128x128xf32, #tpu.memory_space<hbm>>
    %dma_wait3A_51 = tpu.memref_squeeze %dma_wait3A_50 : memref<1x128x128xf32, #tpu.memory_space<hbm>> -> memref<128x128xf32, #tpu.memory_space<hbm>>
    %dma_wait3A_52 = arith.constant 0 : i32
    %dma_wait3A_53 = tpu.memref_slice %arg4[%dma_wait3A_48, %mul3A_2, %dma_wait3A_52] : memref<50x4096x128xf32, #tpu.memory_space<hbm>> -> memref<1x128x128xf32, #tpu.memory_space<hbm>>
    %dma_wait3A_54 = tpu.memref_squeeze %dma_wait3A_53 : memref<1x128x128xf32, #tpu.memory_space<hbm>> -> memref<128x128xf32, #tpu.memory_space<hbm>>
    tpu.wait_dma2 semaphore(%arg17 : memref<!tpu.dma_semaphore, #tpu.memory_space<semaphore_mem>>) src(%arg7 : memref<128x128xf32, #tpu.memory_space<vmem>>) dst(%dma_wait3A_54 : memref<128x128xf32, #tpu.memory_space<hbm>>)
    %dma_wait3A_55 = arith.constant 0 : i32
    %dma_wait3A_56 = arith.constant 0 : i32
    %dma_wait3A_57 = tpu.memref_slice %arg4[%dma_wait3A_55, %mul3A_2, %dma_wait3A_56] : memref<50x4096x128xf32, #tpu.memory_space<hbm>> -> memref<1x128x128xf32, #tpu.memory_space<hbm>>
    %dma_wait3A_58 = tpu.memref_squeeze %dma_wait3A_57 : memref<1x128x128xf32, #tpu.memory_space<hbm>> -> memref<128x128xf32, #tpu.memory_space<hbm>>
    %dma_wait3A_59 = arith.constant 0 : i32
    %dma_wait3A_60 = tpu.memref_slice %arg4[%dma_wait3A_55, %mul3A_2, %dma_wait3A_59] : memref<50x4096x128xf32, #tpu.memory_space<hbm>> -> memref<1x128x128xf32, #tpu.memory_space<hbm>>
    %dma_wait3A_61 = tpu.memref_squeeze %dma_wait3A_60 : memref<1x128x128xf32, #tpu.memory_space<hbm>> -> memref<128x128xf32, #tpu.memory_space<hbm>>
    tpu.wait_dma2 semaphore(%arg18 : memref<!tpu.dma_semaphore, #tpu.memory_space<semaphore_mem>>) src(%arg8 : memref<128x128xf32, #tpu.memory_space<vmem>>) dst(%dma_wait3A_61 : memref<128x128xf32, #tpu.memory_space<hbm>>)
    %dma_wait3A_62 = arith.constant 0 : i32
    %dma_wait3A_63 = arith.constant 0 : i32
    %dma_wait3A_64 = tpu.memref_slice %arg4[%dma_wait3A_62, %mul3A_2, %dma_wait3A_63] : memref<50x4096x128xf32, #tpu.memory_space<hbm>> -> memref<1x128x128xf32, #tpu.memory_space<hbm>>
    %dma_wait3A_65 = tpu.memref_squeeze %dma_wait3A_64 : memref<1x128x128xf32, #tpu.memory_space<hbm>> -> memref<128x128xf32, #tpu.memory_space<hbm>>
    %dma_wait3A_66 = arith.constant 0 : i32
    %dma_wait3A_67 = tpu.memref_slice %arg4[%dma_wait3A_62, %mul3A_2, %dma_wait3A_66] : memref<50x4096x128xf32, #tpu.memory_space<hbm>> -> memref<1x128x128xf32, #tpu.memory_space<hbm>>
    %dma_wait3A_68 = tpu.memref_squeeze %dma_wait3A_67 : memref<1x128x128xf32, #tpu.memory_space<hbm>> -> memref<128x128xf32, #tpu.memory_space<hbm>>
    tpu.wait_dma2 semaphore(%arg19 : memref<!tpu.dma_semaphore, #tpu.memory_space<semaphore_mem>>) src(%arg9 : memref<128x128xf32, #tpu.memory_space<vmem>>) dst(%dma_wait3A_68 : memref<128x128xf32, #tpu.memory_space<hbm>>)
    %dma_wait3A_69 = arith.constant 0 : i32
    %dma_wait3A_70 = arith.constant 0 : i32
    %dma_wait3A_71 = tpu.memref_slice %arg4[%dma_wait3A_69, %mul3A_2, %dma_wait3A_70] : memref<50x4096x128xf32, #tpu.memory_space<hbm>> -> memref<1x128x128xf32, #tpu.memory_space<hbm>>
    %dma_wait3A_72 = tpu.memref_squeeze %dma_wait3A_71 : memref<1x128x128xf32, #tpu.memory_space<hbm>> -> memref<128x128xf32, #tpu.memory_space<hbm>>
    %dma_wait3A_73 = arith.constant 0 : i32
    %dma_wait3A_74 = tpu.memref_slice %arg4[%dma_wait3A_69, %mul3A_2, %dma_wait3A_73] : memref<50x4096x128xf32, #tpu.memory_space<hbm>> -> memref<1x128x128xf32, #tpu.memory_space<hbm>>
    %dma_wait3A_75 = tpu.memref_squeeze %dma_wait3A_74 : memref<1x128x128xf32, #tpu.memory_space<hbm>> -> memref<128x128xf32, #tpu.memory_space<hbm>>
    tpu.wait_dma2 semaphore(%arg20 : memref<!tpu.dma_semaphore, #tpu.memory_space<semaphore_mem>>) src(%arg10 : memref<128x128xf32, #tpu.memory_space<vmem>>) dst(%dma_wait3A_75 : memref<128x128xf32, #tpu.memory_space<hbm>>)
    return
  }
}

</mosaic_0001>

<sc_bundles>
// kernel: _run.3.cloned.1.call-start
scs
__scs_entry_jumppad:
0x0: {  	(pc) =	sbr.rel $0x88, $3  }
0x1: {  	(tag) =	ssettag $0x0;
	lr =	simm.s32 $0x1  }
0x2: {  	[smem:$0x3F9F] =	sst lr;
	_ =	strace $0xD0000000  }
0x3: {  	_ = 	snop  }
0x4: {  	_ = 	snop  }
0x5: {  	_ = 	snop  }
0x6: {  	_ = 	snop  }
0x7: {  	_ = 	snop  }
__scs_overlays_trampoline_lowered:
0x8: {  	[smem:$0x3FAE] =	sst s0  }
0x9: {  	[smem:$0x3FAF] =	sst s1  }
0xa: {  	[smem:$0x3FB0] =	sst s2  }
0xb: {  	[smem:$0x3FB1] =	sst s3  }
0xc: {  	[smem:$0x3FB2] =	sst s4  }
0xd: {  	[smem:$0x3FB3] =	sst s5  }
0xe: {  	[smem:$0x3FB4] =	sst s6  }
0xf: {  	[smem:$0x3FB5] =	sst s7  }
0x10: {  	[smem:$0x3FB6] =	sst s8  }
0x11: {  	[smem:$0x3FB7] =	sst s9;
	s0 =	simm.s32 @!p0 $0x0  }
0x12: {  	s1 =	sld [smem:$0x3F9D];
	s0 =	simm.s32 @p0 $0x1  }
0x13: {  	[smem:$0x3FB8] =	sst s0;
	s0 =	simm.s32 @!p1 $0x0  }
0x14: {  	s2 =	sld [smem:$0x3F9C];
	s0 =	simm.s32 @p1 $0x1  }
0x15: {  	[smem:$0x3FB9] =	sst s0;
	s0 =	simm.s32 @!p2 $0x0  }
0x16: {  	s3 =	sld [smem:$0x3FDB];
	s0 =	simm.s32 @p2 $0x1  }
0x17: {  	s4 =	simm.s32 $0x1BF5;
	[smem:$0x3FBB] =	sst s0  }
0x18: {  	s0 =	sld [smem:$0x3F9E];
	_ =	swait.ge [sflag:s4], $0x0  }
0x19: {  	s7 =	sld [smem:$0x3F9F]  }
0x1a: {  	s8 =	sadd.s32 $0xFFFFE003, lr  }
0x1b: {  	s9 =	sadd.s32 $0xFFFFFEF7, lr;
	s5 =	simm.s32 $0xFFFFFFFF;
	p2 =	slt.u32 s8, $0xFFFFF086  }
0x1c: {  	p1 =	slt.u32 s9, $0xF7A;
	s5 =	simm.s32 @!p2 $0x0  }
0x1d: {  	s5 =	simm.s32 @p1 $0x1;
	p0 =	seq.s32 s7, s2  }
0x1e: {  	s7 =	smul.u32 @!p0 $0xF7A, s2;
	p2 =	seq.s32 @!p0 s5, $0x0  }
0x1f: {  	s9 =	smul.u32 $0xF7A, s1;
	s8 =	simm.s32 @!p0 $0x1BF5;
	p2 =	por !p2, p0  }
0x20: {  	[sflag:s8] =	ssyncset.s32 @!p0 $0xFFFFF086;
	s6 =	sadd.s32 @!p0 s3, s7;
	s7 =	simm.s32 @!p0 $0x108  }
0x21: {  	s3 =	sadd.s32 s3, s9;
	s6 =	sadd.s32 @!p0 $0x88, s6;
	s7 =	simm.s32 @p2 $0x1082  }
0x22: {  	[simem:s7], [sflag:s8] =	dma.local @!p0 [hbm:s6], $0xF7A  }
0x23: {  	s9 =	sor.u32 $0xD0000000, s2;
	s6 =	simm.s32 $0x108;
	_ =	swait.ge @!p0 [sflag:s8], $0x0  }
0x24: {  	s3 =	sadd.s32 $0x88, s3;
	s6 =	simm.s32 @!p1 $0x1082;
	[sflag:s4] =	ssyncset.s32 $0xFFFFF086  }
0x25: {  	[simem:s6], [sflag:s4] =	dma.local [hbm:s3], $0xF7A  }
0x26: {  	[smem:$0x3F9F] =	sst s1;
	(tag) =	ssettag s2;
	_ =	strace s9  }
0x27: {  	s1 =	sld [smem:$0x3FAF]  }
0x28: {  	s2 =	sld [smem:$0x3FB0]  }
0x29: {  	s4 =	sld [smem:$0x3FB2]  }
0x2a: {  	p0 =	seq.s32 s5, $0x0;
	s5 =	sld [smem:$0x3FB3]  }
0x2b: {  	s6 =	sld [smem:$0x3FB4]  }
0x2c: {  	s7 =	sld [smem:$0x3FB5]  }
0x2d: {  	s3 =	simm.s32 $0x108;
	s8 =	sld [smem:$0x3FB6]  }
0x2e: {  	s3 =	simm.s32 @!p0 $0x1082;
	s9 =	sld [smem:$0x3FB7]  }
0x2f: {  	lr =	sadd.s32 s0, s3;
	s0 =	sld [smem:$0x3FAE]  }
0x30: {  	s3 =	sld [smem:$0x3FB1]  }
0x31: {  	[smem:$0x3FBA] =	sst s10  }
0x32: {  	s10 =	sld [smem:$0x3FB8];
	_ =	sdelay $0x3  }
0x33: {  	p0 =	seq.s32 s10, $0x1;
	s10 =	sld [smem:$0x3FBA];
	_ =	sdelay $0x3  }
0x34: {  	[smem:$0x3FBA] =	sst s10  }
0x35: {  	s10 =	sld [smem:$0x3FB9];
	_ =	sdelay $0x3  }
0x36: {  	p1 =	seq.s32 s10, $0x1;
	s10 =	sld [smem:$0x3FBA];
	_ =	sdelay $0x3  }
0x37: {  	[smem:$0x3FBA] =	sst s10  }
0x38: {  	s10 =	sld [smem:$0x3FBB]  }
0x39: {  	_ = 	snop;
	(pc) =	sbr.ind lr, $3  }
0x3a: {  	_ = 	snop  }
0x3b: {  	_ = 	snop  }
0x3c: {  	p2 =	seq.s32 s10, $0x1;
	s10 =	sld [smem:$0x3FBA]  }
0x3d: {  	_ =	shalt  }
0x3e: {  	_ =	shalt  }
0x3f: {  	_ =	shalt  }
0x40: {  	_ =	shalt  }
0x41: {  	_ =	shalt  }
0x42: {  	_ =	shalt  }
0x43: {  	_ =	shalt  }
0x44: {  	_ =	shalt  }
0x45: {  	_ =	shalt  }
0x46: {  	_ =	shalt  }
0x47: {  	_ =	shalt  }
0x48: {  	_ =	shalt  }
0x49: {  	_ =	shalt  }
0x4a: {  	_ =	shalt  }
0x4b: {  	_ =	shalt  }
0x4c: {  	_ =	shalt  }
0x4d: {  	_ =	shalt  }
0x4e: {  	_ =	shalt  }
0x4f: {  	_ =	shalt  }
0x50: {  	_ =	shalt  }
0x51: {  	_ =	shalt  }
0x52: {  	_ =	shalt  }
0x53: {  	_ =	shalt  }
0x54: {  	_ =	shalt  }
0x55: {  	_ =	shalt  }
0x56: {  	_ =	shalt  }
0x57: {  	_ =	shalt  }
0x58: {  	_ =	shalt  }
0x59: {  	_ =	shalt  }
0x5a: {  	_ =	shalt  }
0x5b: {  	_ =	shalt  }
0x5c: {  	_ =	shalt  }
0x5d: {  	_ =	shalt  }
0x5e: {  	_ =	shalt  }
0x5f: {  	_ =	shalt  }
0x60: {  	_ =	shalt  }
0x61: {  	_ =	shalt  }
0x62: {  	_ =	shalt  }
0x63: {  	_ =	shalt  }
0x64: {  	_ =	shalt  }
0x65: {  	_ =	shalt  }
0x66: {  	_ =	shalt  }
0x67: {  	_ =	shalt  }
0x68: {  	_ =	shalt  }
0x69: {  	_ =	shalt  }
0x6a: {  	_ =	shalt  }
0x6b: {  	_ =	shalt  }
0x6c: {  	_ =	shalt  }
0x6d: {  	_ =	shalt  }
0x6e: {  	_ =	shalt  }
0x6f: {  	_ =	shalt  }
0x70: {  	_ =	shalt  }
0x71: {  	_ =	shalt  }
0x72: {  	_ =	shalt  }
0x73: {  	_ =	shalt  }
0x74: {  	_ =	shalt  }
0x75: {  	_ =	shalt  }
0x76: {  	_ =	shalt  }
0x77: {  	_ =	shalt  }
0x78: {  	_ =	shalt  }
0x79: {  	_ =	shalt  }
0x7a: {  	_ =	shalt  }
0x7b: {  	_ =	shalt  }
0x7c: {  	_ =	shalt  }
0x7d: {  	_ =	shalt  }
0x7e: {  	_ =	shalt  }
0x7f: {  	_ =	shalt  }
0x80: {  	_ =	shalt  }
0x81: {  	_ =	shalt  }
0x82: {  	_ =	shalt  }
0x83: {  	_ =	shalt  }
0x84: {  	_ =	shalt  }
0x85: {  	_ =	shalt  }
0x86: {  	_ =	shalt  }
0x87: {  	_ =	shalt  }
.Lfunc_end0:
.L_simem_size_0:
called_computation_lowered:
.L_overlay_start_0:
0x88: {  	s2 =	sld [smem:$0x3FD9]  }
0x89: {  	s3 =	sld [smem:$0x3FFE];
	_ =	sdelay $0x1  }
0x8a: {  	s1 =	srdreg.scid  }
0x8b: {  	s0 =	sand.u32 $0x1, s1  }
0x8c: {  	s18 =	sshll.u32 s0, $0xA;
	s2 =	sadd.s32 s3, s2  }
0x8d: {  	s2 =	sadd.s32 s2, s18  }
0x8e: {  	[smem:$0x3FC6] =	sst s2  }
0x8f: {  	_ = 	snop  }
0x90: {  	s2 =	sld [smem:$0x3FC9]  }
0x91: {  	s19 =	sld [smem:$0x3FC8]  }
0x92: {  	s4 =	sld [smem:$0x3FD0];
	(tm) =	ssettm $0x1  }
0x93: {  	s5 =	sld [smem:$0x3FFB];
	_ =	sdelay $0x3  }
0x94: {  	_ =	strace s5  }
0x95: {  	s5 =	sld [smem:$0x3FFC];
	_ =	sdelay $0x3  }
0x96: {  	_ =	strace s5  }
0x97: {  	s5 =	sld [smem:$0x3FFD];
	_ =	sdelay $0x3  }
0x98: {  	_ =	strace s5  }
0x99: {  	_ =	strace $0x8FFFFFFF  }
0x9a: {  	s20 =	sld [smem:$0x3FDB];
	_ =	sdelay $0x1  }
0x9b: {  	s6 =	simm.s32 $_scs_section_size  }
0x9c: {  	s7 =	simm.s32 $_size__tile_overlayer_lowered;
	s8 =	simm.s32 $_tile_overlayer_lowered  }
0x9d: {  	s23 =	simm.s32 $0x1BFF;
	s22 =	sshll.u32 s8, $0x1;
	s5 =	sadd.s32 s6, s20  }
0x9e: {  	s9 =	simm.s32 $0x0;
	s21 =	sshll.u32 s7, $0x1;
	s7 =	sadd.s32 s22, s5  }
0x9f: {  	[timem:s9], [sflag:s23] =	dma.local [hbm:s7], s21  }
0xa0: {  	_ =	swait.ge [sflag:s23], s21  }
0xa1: {  	s6 =	ssub.s32 $0x0, s21;
	[sflag:s23] =	ssyncset.done $0x0  }
0xa2: {  	[sflag:s23] =	ssyncadd.s32 s6;
	_ =	sdelay $0x1  }
0xa3: {  	s24 =	simm.s32 $0x1B8B  }
0xa4: {  	_ =	swait.ge [sflag:s24], $0x1  }
0xa5: {  	[sflag:s24] =	ssyncset.done $0x0  }
0xa6: {  	s25 =	simm.s32 $0x1B8E;
	[sflag:s24] =	ssyncadd.s32 $0xFFFFFFFF  }
0xa7: {  	s26 =	simm.s32 $execute0_lowered;
	[smem:$0x3FD2] =	sst s25  }
0xa8: {  	s6 =	sshll.u32 s26, $0x1;
	_ =	strace $0x80000046;
	[dreg:$0x1] =	wrdreg $0xFFFFFFFF  }
0xa9: {  	s28 =	simm.s32 $_size_execute0_lowered;
	s5 =	sadd.s32 s5, s6;
	[dreg:$0x0] =	wrdreg $0x0  }
0xaa: {  	s6 =	sshll.u32 s28, $0x1;
	[dreg:$0x2] =	wrdreg s5  }
0xab: {  	[dreg:$0x3] =	wrdreg s6  }
0xac: {  	[dreg:$0x4] =	wrdreg $0xC0  }
0xad: {  	_ =	task [dreg:s9], $0x5FFFF  }
0xae: {  	[dreg:$0x1] =	wrdreg $0xFFFFFFFF  }
0xaf: {  	[dreg:$0x0] =	wrdreg $0x60  }
0xb0: {  	[dreg:$0x2] =	wrdreg s2  }
0xb1: {  	[dreg:$0x3] =	wrdreg s19  }
0xb2: {  	[dreg:$0x4] =	wrdreg s4  }
0xb3: {  	[dreg:$0x5] =	wrdreg $0x9  }
0xb4: {  	_ =	task.clear_ibuf [dreg:s9], $0x6FFFF;
	_ =	strace $0x90000046  }
0xb5: {  	s29 =	simm.s32 $0x9;
	_ =	strace $0x80000048  }
0xb6: {  	_ =	swait.ge [sflag:s29], $0x1  }
0xb7: {  	[sflag:s29] =	ssyncadd.s32 $0xFFFFFFFF  }
0xb8: {  	_ =	strace $0x90000048  }
0xb9: {  	_ =	sfence  }
0xba: {  	s30 =	sld [smem:$0x0];
	_ =	sdelay $0x2  }
0xbb: {  	s31 =	sshll.u32 s1, $0xD;
	s1 =	sshrl.u32 s1, $0x2  }
0xbc: {  	s3 =	sand.u32 $0x4000, s31;
	s1 =	sadd.s32 s1, s30  }
0xbd: {  	s0 =	sor.u32 s3, s0;
	s1 =	sshll.u32 s1, $0x11  }
0xbe: {  	s0 =	sor.u32 s1, s0  }
0xbf: {  	s0 =	sadd.s32 $0x8F2B, s0  }
0xc0: {  	[sflag:s0] =	ssyncadd.remote.s32 $0x1  }
0xc1: {  	_ =	sfence.sel $0xFFFF  }
0xc2: {  	[dreg:$0x0] =	wrdreg $0xFFFFFFFF;
	(pc) =	sbr.abs _section_cstart, $3  }
0xc3: {  	[dreg:$0x1] =	wrdreg $0xFFFFFFFF  }
0xc4: {  	_ =	task.clear_ibuf [dreg:s9], $0x2FFFF;
	_ =	strace $0x9FFFFFFF  }
0xc5: {  	(tm) =	ssettm $0x7FFFFFFF  }
tec
execute0_lowered:
.L_overlay_start_1:
0x0: {  	(tag) =	ssettag $0x1  }
0x1: {  	s0 =	rddreg [dreg:$0x0]  }
0x2: {  	s1 =	rddreg [dreg:$0x1]  }
0x3: {  	s2 =	rddreg [dreg:$0x2];
	s4 =	simm.s32 $0x0;
	s3 =	srdreg.scid  }
0x4: {  	s6 =	stileid.u32;
	s17 =	simm.s32 $0x80;
	s18 =	simm.s32 $0x1C00  }
0x5: {  	s19 =	simm.s32 $0x5C00;
	s21 =	simm.s32 $0x9C00;
	s23 =	simm.s32 $0xDC00  }
0x6: {  	s25 =	simm.s32 $0x11C00;
	s28 =	simm.s32 $0x2;
	s29 =	simm.s32 $0x3  }
0x7: {  	s30 =	simm.s32 $0x4;
	s31 =	simm.s32 $0x5;
	s13 =	simm.s32 $0x8  }
0x8: {  	s14 =	simm.s32 $0x9;
	s15 =	simm.s32 $0xA;
	s3 =	sand.u32 $0x1, s3  }
0x9: {  	s20 =	simm.s32 $0x0;
	[smem:$0x7FF] =	sst s4;
	s5 =	ssub.s32 $0x2, s3  }
0xa: {  	s6 =	sshll.u32 s6, $0x8;
	s3 =	sshll.u32 s3, $0x7;
	s7 =	sshrl.u32 s5, $0x1  }
0xb: {  	_ =	strace $0x80000047;
	s3 =	sor.u32 s3, s6;
	s5 =	ssub.s32 s5, s7  }
.Ltmp0:
0xc: {  	s0 =	sadd.s32 s0, s3;
	s6 =	sshll.u32 s3, $0x7;
	(pc) =	sbr.rel .LBB2_1-.Ltmp0, $4  }
0xd: {  	s3 =	simm.s32 $0x7;
	[dreg:$0x4] =	wrdreg s0;
	s0 =	sadd.s32 $0x6000, s0  }
0xe: {  	s8 =	sor.u32 $0x80000, s6;
	s9 =	sor.u32 $0x100000, s6;
	s10 =	sor.u32 $0x180000, s6  }
0xf: {  	s11 =	sor.u32 $0x200000, s6;
	s26 =	smax.u32 s5, $0x1;
	[dreg:$0x5] =	wrdreg s0  }
0x10: {  	[dreg:$0x6] =	wrdreg s26;
	s26 =	simm.s32 $0x1;
	s0 =	simm.s32 $0x6  }
.LBB2_14:
0x11: {  	_ =	swait.ge [sflag:s0], $0x4000  }
0x12: {  	[sflag:s0] =	ssyncset.done $0x0  }
0x13: {  	[sflag:s0] =	ssyncadd.s32 $0xFFFFC000  }
0x14: {  	_ =	swait.ge [sflag:s3], $0x4000  }
0x15: {  	[sflag:s3] =	ssyncset.done $0x0  }
0x16: {  	[sflag:s3] =	ssyncadd.s32 $0xFFFFC000  }
0x17: {  	_ =	swait.ge [sflag:s13], $0x4000  }
0x18: {  	[sflag:s13] =	ssyncset.done $0x0  }
0x19: {  	[sflag:s13] =	ssyncadd.s32 $0xFFFFC000  }
0x1a: {  	_ =	swait.ge [sflag:s14], $0x4000  }
0x1b: {  	[sflag:s14] =	ssyncset.done $0x0  }
0x1c: {  	[sflag:s14] =	ssyncadd.s32 $0xFFFFC000  }
0x1d: {  	_ =	swait.ge [sflag:s15], $0x4000  }
0x1e: {  	s20 =	sadd.s32 $0x1, s20;
	s5 =	rddreg [dreg:$0x6]  }
0x1f: {  	p0 =	sne.s32 s20, s5  }
.Ltmp1:
0x20: {  	_ = 	snop;
	(pc) =	sbr.rel @!p0 .LBB2_15-.Ltmp1, $3  }
0x21: {  	_ =	sdelay $0x1  }
0x22: {  	[sflag:s15] =	ssyncset.done $0x0  }
0x23: {  	[sflag:s15] =	ssyncadd.s32 $0xFFFFC000  }
.LBB2_1:
0x24: {  	s5 =	rddreg [dreg:$0x4];
	s7 =	simm.s32 $0x400;
	s12 =	simm.s32 $0x8000  }
0x25: {  	[tilespmem:s4], [sflag:$0xB] =	stream.strided.gather [hbm4b:s5+s7], $0x1800, s12, s7, $0x38;
	[tilespmem:$0x15C00] =	vst v63  }
0x26: {  	s22 =	rddreg [dreg:$0x5];
	s24 =	simm.s32 $0x1800;
	s12 =	simm.s32 $0xB  }
0x27: {  	[tilespmem:s24], [sflag:$0xB] =	stream.linear.gather [hbm4b:s22+s4], $0x100, $0x38;
	[tilespmem:$0x15C00] =	vst v63  }
0x28: {  	_ =	swait.ge [sflag:s12], $0x1900  }
0x29: {  	[sflag:s12] =	ssyncset.done $0x0  }
0x2a: {  	[sflag:s12] =	ssyncadd.s32 $0xFFFFE700  }
0x2b: {  	[tilespmem:s18], [sflag:$0x1] =	stream.indirect.gather [hbm4b:s1+s17], $0x80, s4, s17, $0xb8;
	[tilespmem:$0x15C00] =	vst v63  }
0x2c: {  	_ = 	snop  }
0x2d: {  	[tilespmem:s19], [sflag:$0x2] =	stream.indirect.gather [hbm4b:s1+s17], $0x80, s17, s17, $0xb8;
	[tilespmem:$0x15C00] =	vst v63  }
0x2e: {  	s16 =	simm.s32 $0x100  }
0x2f: {  	[tilespmem:s21], [sflag:$0x3] =	stream.indirect.gather [hbm4b:s1+s17], $0x80, s16, s17, $0xb8;
	[tilespmem:$0x15C00] =	vst v63  }
0x30: {  	s22 =	simm.s32 $0x180  }
0x31: {  	[tilespmem:s23], [sflag:$0x4] =	stream.indirect.gather [hbm4b:s1+s17], $0x80, s22, s17, $0xb8;
	[tilespmem:$0x15C00] =	vst v63  }
0x32: {  	s24 =	simm.s32 $0x200;
	s22 =	simm.s32 $0x0  }
0x33: {  	[tilespmem:s25], [sflag:$0x5] =	stream.indirect.gather [hbm4b:s1+s17], $0x80, s24, s17, $0xb8;
	[tilespmem:$0x15C00] =	vst v63  }
.LBB2_2:
0x34: {  	_ =	swait.ge [sflag:s26], $0x4000  }
0x35: {  	[sflag:s26] =	ssyncset.done $0x0  }
0x36: {  	s7 =	simm.s32 $0x0;
	[sflag:s26] =	ssyncadd.s32 $0xFFFFC000  }
0x37: {  	v2 =	vld [tilespmem:s7+$0x1C00]  }
0x38: {  	v5 =	vld [tilespmem:s7+$0x1C10]  }
0x39: {  	v4 =	vld [tilespmem:s7+$0x1C20]  }
0x3a: {  	v3 =	vld [tilespmem:s7+$0x1C30]  }
0x3b: {  	v0 =	vld [tilespmem:s7+$0x1C40]  }
0x3c: {  	v1 =	vld [tilespmem:s7+$0x1C50];
	v6 =	vmul.f32 $1.131370830e+01, v2  }
0x3d: {  	s12 =	simm.s32 $0x200;
	v5 =	vmul.f32 $1.131370830e+01, v5;
	v2 =	vld [tilespmem:s7+$0x1C60]  }
.LBB2_3:
0x3e: {  	s5 =	sshra.s32 s12, $0x2;
	p0 =	sne.s32 s12, $0xFE00;
	[tilespmem:s7+$0x1C00] =	vst v6;
	v4 =	vmul.f32 $1.131370830e+01, v4;
	v6 =	vld [tilespmem:s7+$0x1C70]  }
0x3f: {  	v7 =	vld [tilespmem:s5+$0x1C00];
	[tilespmem:s7+$0x1C10] =	vst v5;
	v3 =	vmul.f32 $1.131370830e+01, v3  }
0x40: {  	v5 =	vld [tilespmem:s5+$0x1C10];
	[tilespmem:s7+$0x1C20] =	vst v4;
	v0 =	vmul.f32 $1.131370830e+01, v0  }
.Ltmp2:
0x41: {  	v4 =	vld [tilespmem:s5+$0x1C20];
	[tilespmem:s7+$0x1C30] =	vst v3;
	v1 =	vmul.f32 $1.131370830e+01, v1;
	(pc) =	sbr.rel @p0 .LBB2_3-.Ltmp2, $4  }
0x42: {  	v3 =	vld [tilespmem:s5+$0x1C30];
	[tilespmem:s7+$0x1C40] =	vst v0;
	v2 =	vmul.f32 $1.131370830e+01, v2  }
0x43: {  	v0 =	vld [tilespmem:s5+$0x1C40];
	[tilespmem:s7+$0x1C50] =	vst v1;
	v8 =	vmul.f32 $1.131370830e+01, v6  }
0x44: {  	v6 =	vmul.f32 $1.131370830e+01, v7;
	v1 =	vld [tilespmem:s5+$0x1C50];
	[tilespmem:s7+$0x1C60] =	vst v2  }
0x45: {  	s12 =	sadd.s32 $0x200, s12;
	v5 =	vmul.f32 $1.131370830e+01, v5;
	v2 =	vld [tilespmem:s5+$0x1C60];
	[tilespmem:s7+$0x1C70] =	vst v8;
	s7 =	smov.u32 s5  }
0x46: {  	[tilespmem:s7+$0x1C00] =	vst v6;
	v4 =	vmul.f32 $1.131370830e+01, v4;
	v6 =	vld [tilespmem:s7+$0x1C70]  }
0x47: {  	[tilespmem:s7+$0x1C10] =	vst v5;
	v3 =	vmul.f32 $1.131370830e+01, v3  }
0x48: {  	[tilespmem:s7+$0x1C20] =	vst v4;
	v0 =	vmul.f32 $1.131370830e+01, v0  }
0x49: {  	s24 =	smul.u32 $0x280000, s22;
	[tilespmem:s7+$0x1C30] =	vst v3;
	v1 =	vmul.f32 $1.131370830e+01, v1  }
0x4a: {  	s12 =	smul.u32 $0x5, s22;
	[tilespmem:s7+$0x1C40] =	vst v0;
	v0 =	vmul.f32 $1.131370830e+01, v2  }
0x4b: {  	s5 =	sor.u32 s6, s24;
	[tilespmem:s7+$0x1C50] =	vst v1;
	v1 =	vmul.f32 $1.131370830e+01, v6  }
0x4c: {  	s16 =	sadd.s32 $0xFFFFFFFF, s12;
	s5 =	sshrl.u32 s5, $0x3;
	[tilespmem:s7+$0x1C60] =	vst v0  }
0x4d: {  	p0 =	sgt.u32 s16, $0x2C;
	s5 =	sadd.s32 s2, s5;
	[tilespmem:s7+$0x1C70] =	vst v1  }
0x4e: {  	[hbm4b:s5+s4] =	stream.linear.scatter [tilespmem:s18], [sflag:$0x6], $0x4000, $0x38;
	[tilespmem:$0x15C00] =	vst v63  }
0x4f: {  	s5 =	simm.s32 @!p0 $0xA  }
0x50: {  	s7 =	smul.u32 @!p0 $0xA00, s22;
	_ =	swait.ge @!p0 [sflag:s5], $0x4000  }
0x51: {  	[sflag:s5] =	ssyncset.done @!p0 $0x0  }
0x52: {  	[sflag:s5] =	ssyncadd.s32 @!p0 $0xFFFFC000;
	s5 =	sshra.s32 @!p0 s7, $0x2  }
0x53: {  	s12 =	simm.s32 @!p0 $0x11C00;
	s7 =	simm.s32 @!p0 $0x80;
	s5 =	sadd.s32 @!p0 $0x200, s5  }
0x54: {  	[tilespmem:s12], [sflag:$0x5] =	stream.indirect.gather @!p0 [hbm4b:s1+s7], $0x80, s5, s7, $0xb8;
	[tilespmem:$0x15C00] =	vst v63  }
0x55: {  	_ =	swait.ge [sflag:s28], $0x4000  }
0x56: {  	[sflag:s28] =	ssyncset.done $0x0  }
0x57: {  	s7 =	simm.s32 $0x0;
	[sflag:s28] =	ssyncadd.s32 $0xFFFFC000  }
0x58: {  	v3 =	vld [tilespmem:s7+$0x5C00]  }
0x59: {  	v5 =	vld [tilespmem:s7+$0x5C10]  }
0x5a: {  	v4 =	vld [tilespmem:s7+$0x5C20]  }
0x5b: {  	v2 =	vld [tilespmem:s7+$0x5C30]  }
0x5c: {  	v0 =	vld [tilespmem:s7+$0x5C40]  }
0x5d: {  	v1 =	vld [tilespmem:s7+$0x5C50];
	v6 =	vmul.f32 $1.131370830e+01, v3  }
0x5e: {  	s12 =	simm.s32 $0x200;
	v5 =	vmul.f32 $1.131370830e+01, v5;
	v3 =	vld [tilespmem:s7+$0x5C60]  }
.LBB2_5:
0x5f: {  	s5 =	sshra.s32 s12, $0x2;
	p0 =	sne.s32 s12, $0xFE00;
	[tilespmem:s7+$0x5C00] =	vst v6;
	v4 =	vmul.f32 $1.131370830e+01, v4;
	v6 =	vld [tilespmem:s7+$0x5C70]  }
0x60: {  	v7 =	vld [tilespmem:s5+$0x5C00];
	[tilespmem:s7+$0x5C10] =	vst v5;
	v2 =	vmul.f32 $1.131370830e+01, v2  }
0x61: {  	v5 =	vld [tilespmem:s5+$0x5C10];
	[tilespmem:s7+$0x5C20] =	vst v4;
	v0 =	vmul.f32 $1.131370830e+01, v0  }
.Ltmp3:
0x62: {  	v4 =	vld [tilespmem:s5+$0x5C20];
	[tilespmem:s7+$0x5C30] =	vst v2;
	v1 =	vmul.f32 $1.131370830e+01, v1;
	(pc) =	sbr.rel @p0 .LBB2_5-.Ltmp3, $4  }
0x63: {  	v2 =	vld [tilespmem:s5+$0x5C30];
	[tilespmem:s7+$0x5C40] =	vst v0;
	v3 =	vmul.f32 $1.131370830e+01, v3  }
0x64: {  	v0 =	vld [tilespmem:s5+$0x5C40];
	[tilespmem:s7+$0x5C50] =	vst v1;
	v8 =	vmul.f32 $1.131370830e+01, v6  }
0x65: {  	v6 =	vmul.f32 $1.131370830e+01, v7;
	v1 =	vld [tilespmem:s5+$0x5C50];
	[tilespmem:s7+$0x5C60] =	vst v3  }
0x66: {  	s12 =	sadd.s32 $0x200, s12;
	v5 =	vmul.f32 $1.131370830e+01, v5;
	v3 =	vld [tilespmem:s5+$0x5C60];
	[tilespmem:s7+$0x5C70] =	vst v8;
	s7 =	smov.u32 s5  }
0x67: {  	[tilespmem:s7+$0x5C00] =	vst v6;
	v4 =	vmul.f32 $1.131370830e+01, v4;
	v6 =	vld [tilespmem:s7+$0x5C70]  }
0x68: {  	[tilespmem:s7+$0x5C10] =	vst v5;
	v2 =	vmul.f32 $1.131370830e+01, v2  }
0x69: {  	[tilespmem:s7+$0x5C20] =	vst v4;
	v0 =	vmul.f32 $1.131370830e+01, v0  }
0x6a: {  	[tilespmem:s7+$0x5C30] =	vst v2;
	v1 =	vmul.f32 $1.131370830e+01, v1  }
0x6b: {  	[tilespmem:s7+$0x5C40] =	vst v0;
	v0 =	vmul.f32 $1.131370830e+01, v3  }
0x6c: {  	s5 =	sadd.s32 s8, s24;
	[tilespmem:s7+$0x5C50] =	vst v1;
	v1 =	vmul.f32 $1.131370830e+01, v6  }
0x6d: {  	s5 =	sshrl.u32 s5, $0x3;
	[tilespmem:s7+$0x5C60] =	vst v0  }
0x6e: {  	p0 =	seq.s32 s22, $0x9;
	s5 =	sadd.s32 s2, s5;
	[tilespmem:s7+$0x5C70] =	vst v1  }
0x6f: {  	[hbm4b:s5+s4] =	stream.linear.scatter [tilespmem:s19], [sflag:$0x7], $0x4000, $0x38;
	[tilespmem:$0x15C00] =	vst v63  }
0x70: {  	s7 =	smul.u32 @!p0 $0xA00, s22;
	s5 =	simm.s32 @!p0 $0x6  }
0x71: {  	_ =	swait.ge @!p0 [sflag:s5], $0x4000  }
0x72: {  	s12 =	simm.s32 @!p0 $0x80;
	s7 =	sshra.s32 @!p0 s7, $0x2;
	[sflag:s5] =	ssyncset.done @!p0 $0x0  }
0x73: {  	s16 =	simm.s32 @!p0 $0x1C00;
	[sflag:s5] =	ssyncadd.s32 @!p0 $0xFFFFC000;
	s5 =	sadd.s32 @!p0 $0x280, s7  }
0x74: {  	[tilespmem:s16], [sflag:$0x1] =	stream.indirect.gather @!p0 [hbm4b:s1+s12], $0x80, s5, s12, $0xb8;
	[tilespmem:$0x15C00] =	vst v63  }
0x75: {  	_ =	swait.ge [sflag:s29], $0x4000  }
0x76: {  	[sflag:s29] =	ssyncset.done $0x0  }
0x77: {  	s12 =	simm.s32 $0x0;
	[sflag:s29] =	ssyncadd.s32 $0xFFFFC000  }
0x78: {  	v3 =	vld [tilespmem:s12+$0x9C00]  }
0x79: {  	v5 =	vld [tilespmem:s12+$0x9C10]  }
0x7a: {  	v4 =	vld [tilespmem:s12+$0x9C20]  }
0x7b: {  	v2 =	vld [tilespmem:s12+$0x9C30]  }
0x7c: {  	v0 =	vld [tilespmem:s12+$0x9C40]  }
0x7d: {  	v1 =	vld [tilespmem:s12+$0x9C50];
	v6 =	vmul.f32 $1.131370830e+01, v3  }
0x7e: {  	s5 =	simm.s32 $0x200;
	v5 =	vmul.f32 $1.131370830e+01, v5;
	v3 =	vld [tilespmem:s12+$0x9C60]  }
.LBB2_7:
0x7f: {  	s16 =	sshra.s32 s5, $0x2;
	p1 =	sne.s32 s5, $0xFE00;
	[tilespmem:s12+$0x9C00] =	vst v6;
	v4 =	vmul.f32 $1.131370830e+01, v4;
	v6 =	vld [tilespmem:s12+$0x9C70]  }
0x80: {  	v7 =	vld [tilespmem:s16+$0x9C00];
	[tilespmem:s12+$0x9C10] =	vst v5;
	v2 =	vmul.f32 $1.131370830e+01, v2  }
0x81: {  	v5 =	vld [tilespmem:s16+$0x9C10];
	[tilespmem:s12+$0x9C20] =	vst v4;
	v0 =	vmul.f32 $1.131370830e+01, v0  }
.Ltmp4:
0x82: {  	v4 =	vld [tilespmem:s16+$0x9C20];
	[tilespmem:s12+$0x9C30] =	vst v2;
	v1 =	vmul.f32 $1.131370830e+01, v1;
	(pc) =	sbr.rel @p1 .LBB2_7-.Ltmp4, $4  }
0x83: {  	v2 =	vld [tilespmem:s16+$0x9C30];
	[tilespmem:s12+$0x9C40] =	vst v0;
	v3 =	vmul.f32 $1.131370830e+01, v3  }
0x84: {  	v0 =	vld [tilespmem:s16+$0x9C40];
	[tilespmem:s12+$0x9C50] =	vst v1;
	v8 =	vmul.f32 $1.131370830e+01, v6  }
0x85: {  	v6 =	vmul.f32 $1.131370830e+01, v7;
	v1 =	vld [tilespmem:s16+$0x9C50];
	[tilespmem:s12+$0x9C60] =	vst v3  }
0x86: {  	s5 =	sadd.s32 $0x200, s5;
	v5 =	vmul.f32 $1.131370830e+01, v5;
	v3 =	vld [tilespmem:s16+$0x9C60];
	[tilespmem:s12+$0x9C70] =	vst v8;
	s12 =	smov.u32 s16  }
0x87: {  	[tilespmem:s12+$0x9C00] =	vst v6;
	v4 =	vmul.f32 $1.131370830e+01, v4;
	v6 =	vld [tilespmem:s12+$0x9C70]  }
0x88: {  	[tilespmem:s12+$0x9C10] =	vst v5;
	v2 =	vmul.f32 $1.131370830e+01, v2  }
0x89: {  	[tilespmem:s12+$0x9C20] =	vst v4;
	v0 =	vmul.f32 $1.131370830e+01, v0  }
0x8a: {  	[tilespmem:s12+$0x9C30] =	vst v2;
	v1 =	vmul.f32 $1.131370830e+01, v1  }
0x8b: {  	[tilespmem:s12+$0x9C40] =	vst v0;
	v0 =	vmul.f32 $1.131370830e+01, v3  }
0x8c: {  	s5 =	sadd.s32 s9, s24;
	[tilespmem:s12+$0x9C50] =	vst v1;
	v1 =	vmul.f32 $1.131370830e+01, v6  }
0x8d: {  	s5 =	sshrl.u32 s5, $0x3;
	[tilespmem:s12+$0x9C60] =	vst v0  }
0x8e: {  	s5 =	sadd.s32 s2, s5;
	[tilespmem:s12+$0x9C70] =	vst v1  }
0x8f: {  	[hbm4b:s5+s4] =	stream.linear.scatter [tilespmem:s21], [sflag:$0x8], $0x4000, $0x38;
	[tilespmem:$0x15C00] =	vst v63  }
0x90: {  	s5 =	simm.s32 @!p0 $0x7  }
0x91: {  	_ =	swait.ge @!p0 [sflag:s5], $0x4000  }
0x92: {  	s16 =	simm.s32 @!p0 $0x5C00;
	[sflag:s5] =	ssyncset.done @!p0 $0x0  }
0x93: {  	s12 =	simm.s32 @!p0 $0x80;
	[sflag:s5] =	ssyncadd.s32 @!p0 $0xFFFFC000;
	s5 =	sadd.s32 @!p0 $0x300, s7  }
0x94: {  	[tilespmem:s16], [sflag:$0x2] =	stream.indirect.gather @!p0 [hbm4b:s1+s12], $0x80, s5, s12, $0xb8;
	[tilespmem:$0x15C00] =	vst v63  }
0x95: {  	_ =	swait.ge [sflag:s30], $0x4000  }
0x96: {  	[sflag:s30] =	ssyncset.done $0x0  }
0x97: {  	s12 =	simm.s32 $0x0;
	[sflag:s30] =	ssyncadd.s32 $0xFFFFC000  }
0x98: {  	v3 =	vld [tilespmem:s12+$0xDC00]  }
0x99: {  	v5 =	vld [tilespmem:s12+$0xDC10]  }
0x9a: {  	v4 =	vld [tilespmem:s12+$0xDC20]  }
0x9b: {  	v2 =	vld [tilespmem:s12+$0xDC30]  }
0x9c: {  	v0 =	vld [tilespmem:s12+$0xDC40]  }
0x9d: {  	v1 =	vld [tilespmem:s12+$0xDC50];
	v6 =	vmul.f32 $1.131370830e+01, v3  }
0x9e: {  	s5 =	simm.s32 $0x200;
	v5 =	vmul.f32 $1.131370830e+01, v5;
	v3 =	vld [tilespmem:s12+$0xDC60]  }
.LBB2_9:
0x9f: {  	s16 =	sshra.s32 s5, $0x2;
	p1 =	sne.s32 s5, $0xFE00;
	[tilespmem:s12+$0xDC00] =	vst v6;
	v4 =	vmul.f32 $1.131370830e+01, v4;
	v6 =	vld [tilespmem:s12+$0xDC70]  }
0xa0: {  	v7 =	vld [tilespmem:s16+$0xDC00];
	[tilespmem:s12+$0xDC10] =	vst v5;
	v2 =	vmul.f32 $1.131370830e+01, v2  }
0xa1: {  	v5 =	vld [tilespmem:s16+$0xDC10];
	[tilespmem:s12+$0xDC20] =	vst v4;
	v0 =	vmul.f32 $1.131370830e+01, v0  }
.Ltmp5:
0xa2: {  	v4 =	vld [tilespmem:s16+$0xDC20];
	[tilespmem:s12+$0xDC30] =	vst v2;
	v1 =	vmul.f32 $1.131370830e+01, v1;
	(pc) =	sbr.rel @p1 .LBB2_9-.Ltmp5, $4  }
0xa3: {  	v2 =	vld [tilespmem:s16+$0xDC30];
	[tilespmem:s12+$0xDC40] =	vst v0;
	v3 =	vmul.f32 $1.131370830e+01, v3  }
0xa4: {  	v0 =	vld [tilespmem:s16+$0xDC40];
	[tilespmem:s12+$0xDC50] =	vst v1;
	v8 =	vmul.f32 $1.131370830e+01, v6  }
0xa5: {  	v6 =	vmul.f32 $1.131370830e+01, v7;
	v1 =	vld [tilespmem:s16+$0xDC50];
	[tilespmem:s12+$0xDC60] =	vst v3  }
0xa6: {  	s5 =	sadd.s32 $0x200, s5;
	v5 =	vmul.f32 $1.131370830e+01, v5;
	v3 =	vld [tilespmem:s16+$0xDC60];
	[tilespmem:s12+$0xDC70] =	vst v8;
	s12 =	smov.u32 s16  }
0xa7: {  	[tilespmem:s12+$0xDC00] =	vst v6;
	v4 =	vmul.f32 $1.131370830e+01, v4;
	v6 =	vld [tilespmem:s12+$0xDC70]  }
0xa8: {  	[tilespmem:s12+$0xDC10] =	vst v5;
	v2 =	vmul.f32 $1.131370830e+01, v2  }
0xa9: {  	[tilespmem:s12+$0xDC20] =	vst v4;
	v0 =	vmul.f32 $1.131370830e+01, v0  }
0xaa: {  	[tilespmem:s12+$0xDC30] =	vst v2;
	v1 =	vmul.f32 $1.131370830e+01, v1  }
0xab: {  	[tilespmem:s12+$0xDC40] =	vst v0;
	v0 =	vmul.f32 $1.131370830e+01, v3  }
0xac: {  	s5 =	sadd.s32 s10, s24;
	[tilespmem:s12+$0xDC50] =	vst v1;
	v1 =	vmul.f32 $1.131370830e+01, v6  }
0xad: {  	s5 =	sshrl.u32 s5, $0x3;
	[tilespmem:s12+$0xDC60] =	vst v0  }
0xae: {  	s5 =	sadd.s32 s2, s5;
	[tilespmem:s12+$0xDC70] =	vst v1  }
0xaf: {  	[hbm4b:s5+s4] =	stream.linear.scatter [tilespmem:s23], [sflag:$0x9], $0x4000, $0x38;
	[tilespmem:$0x15C00] =	vst v63  }
0xb0: {  	s5 =	simm.s32 @!p0 $0x8  }
0xb1: {  	_ =	swait.ge @!p0 [sflag:s5], $0x4000  }
0xb2: {  	s12 =	simm.s32 @!p0 $0x9C00;
	[sflag:s5] =	ssyncset.done @!p0 $0x0  }
0xb3: {  	[sflag:s5] =	ssyncadd.s32 @!p0 $0xFFFFC000;
	s5 =	sadd.s32 @!p0 $0x380, s7;
	s7 =	simm.s32 @!p0 $0x80  }
0xb4: {  	[tilespmem:s12], [sflag:$0x3] =	stream.indirect.gather @!p0 [hbm4b:s1+s7], $0x80, s5, s7, $0xb8;
	[tilespmem:$0x15C00] =	vst v63  }
0xb5: {  	_ =	swait.ge [sflag:s31], $0x4000  }
0xb6: {  	[sflag:s31] =	ssyncset.done $0x0  }
0xb7: {  	s7 =	simm.s32 $0x0;
	[sflag:s31] =	ssyncadd.s32 $0xFFFFC000  }
0xb8: {  	v3 =	vld [tilespmem:s7+$0x11C00]  }
0xb9: {  	v5 =	vld [tilespmem:s7+$0x11C10]  }
0xba: {  	v4 =	vld [tilespmem:s7+$0x11C20]  }
0xbb: {  	v2 =	vld [tilespmem:s7+$0x11C30]  }
0xbc: {  	v0 =	vld [tilespmem:s7+$0x11C40]  }
0xbd: {  	v1 =	vld [tilespmem:s7+$0x11C50];
	v6 =	vmul.f32 $1.131370830e+01, v3  }
0xbe: {  	s5 =	simm.s32 $0x200;
	v5 =	vmul.f32 $1.131370830e+01, v5;
	v3 =	vld [tilespmem:s7+$0x11C60]  }
.LBB2_11:
0xbf: {  	s12 =	sshra.s32 s5, $0x2;
	p1 =	sne.s32 s5, $0xFE00;
	[tilespmem:s7+$0x11C00] =	vst v6;
	v4 =	vmul.f32 $1.131370830e+01, v4;
	v6 =	vld [tilespmem:s7+$0x11C70]  }
0xc0: {  	v7 =	vld [tilespmem:s12+$0x11C00];
	[tilespmem:s7+$0x11C10] =	vst v5;
	v2 =	vmul.f32 $1.131370830e+01, v2  }
0xc1: {  	v5 =	vld [tilespmem:s12+$0x11C10];
	[tilespmem:s7+$0x11C20] =	vst v4;
	v0 =	vmul.f32 $1.131370830e+01, v0  }
.Ltmp6:
0xc2: {  	v4 =	vld [tilespmem:s12+$0x11C20];
	[tilespmem:s7+$0x11C30] =	vst v2;
	v1 =	vmul.f32 $1.131370830e+01, v1;
	(pc) =	sbr.rel @p1 .LBB2_11-.Ltmp6, $4  }
0xc3: {  	v2 =	vld [tilespmem:s12+$0x11C30];
	[tilespmem:s7+$0x11C40] =	vst v0;
	v3 =	vmul.f32 $1.131370830e+01, v3  }
0xc4: {  	v0 =	vld [tilespmem:s12+$0x11C40];
	[tilespmem:s7+$0x11C50] =	vst v1;
	v8 =	vmul.f32 $1.131370830e+01, v6  }
0xc5: {  	v6 =	vmul.f32 $1.131370830e+01, v7;
	v1 =	vld [tilespmem:s12+$0x11C50];
	[tilespmem:s7+$0x11C60] =	vst v3  }
0xc6: {  	s5 =	sadd.s32 $0x200, s5;
	v5 =	vmul.f32 $1.131370830e+01, v5;
	v3 =	vld [tilespmem:s12+$0x11C60];
	[tilespmem:s7+$0x11C70] =	vst v8;
	s7 =	smov.u32 s12  }
0xc7: {  	[tilespmem:s7+$0x11C00] =	vst v6;
	v4 =	vmul.f32 $1.131370830e+01, v4;
	v61 =	vld [tilespmem:s7+$0x11C70]  }
0xc8: {  	[tilespmem:s7+$0x11C10] =	vst v5;
	v2 =	vmul.f32 $1.131370830e+01, v2  }
0xc9: {  	[tilespmem:s7+$0x11C20] =	vst v4;
	v0 =	vmul.f32 $1.131370830e+01, v0  }
0xca: {  	[tilespmem:s7+$0x11C30] =	vst v2;
	v1 =	vmul.f32 $1.131370830e+01, v1  }
.Ltmp7:
0xcb: {  	[tilespmem:s7+$0x11C40] =	vst v0;
	v62 =	vmul.f32 $1.131370830e+01, v3;
	(pc) =	sbr.rel @p0 .LBB2_14-.Ltmp7, $4  }
0xcc: {  	s5 =	sadd.s32 s11, s24;
	[tilespmem:s7+$0x11C50] =	vst v1;
	v63 =	vmul.f32 $1.131370830e+01, v61  }
0xcd: {  	s5 =	sshrl.u32 s5, $0x3;
	[tilespmem:s7+$0x11C60] =	vst v62  }
0xce: {  	s5 =	sadd.s32 s2, s5;
	[tilespmem:s7+$0x11C70] =	vst v63  }
0xcf: {  	[hbm4b:s5+s4] =	stream.linear.scatter [tilespmem:s25], [sflag:$0xA], $0x4000, $0x38;
	[tilespmem:$0x15C00] =	vst v63  }
0xd0: {  	s5 =	smul.u32 $0xA00, s22  }
.Ltmp8:
0xd1: {  	_ = 	snop;
	(pc) =	sbr.rel .LBB2_2-.Ltmp8, $4  }
0xd2: {  	_ =	swait.ge [sflag:s14], $0x4000  }
0xd3: {  	[sflag:s14] =	ssyncset.done $0x0;
	s5 =	sshra.s32 s5, $0x2  }
0xd4: {  	s22 =	sadd.s32 $0x1, s22;
	[sflag:s14] =	ssyncadd.s32 $0xFFFFC000;
	s5 =	sadd.s32 $0x400, s5  }
0xd5: {  	[tilespmem:s23], [sflag:$0x4] =	stream.indirect.gather [hbm4b:s1+s17], $0x80, s5, s17, $0xb8;
	[tilespmem:$0x15C00] =	vst v63  }
.LBB2_15:
0xd6: {  	_ =	sfence.sel $0x180000  }
0xd7: {  	[bflag:$0x0] =	sbarrier.arrive $0xFFFF  }
0xd8: {  	_ =	strace $0x90000047  }
0xd9: {  	s0 =	stileid.u32;
	[bflag:$0x2] =	sbarrier.arrive $0xFFFF  }
0xda: {  	p0 =	sne.s32 s0, $0x0;
	s0 =	rddreg [dreg:$0x3]  }
0xdb: {  	s0 =	sadd.s32 @!p0 $0x100000, s0  }
0xdc: {  	[sflag:s0] =	ssyncadd.tile.s32 @!p0 $0x1;
	_ =	shalt  }
.Lfunc_end2:
_tile_overlayer_lowered:
.L_overlay_start_2:
0xdd: {  	(tag) =	ssettag $0x2  }
0xde: {  	s0 =	rddreg [dreg:$0x0];
	s2 =	stileid.u32  }
0xdf: {  	s1 =	rddreg [dreg:$0x1];
	p0 =	sne.s32 s2, $0x0  }
0xe0: {  	s3 =	rddreg [dreg:$0x2];
	[bflag:$0x3] =	sbarrier.arrive $0xFFFF;
	s2 =	simm.s32 @!p0 $0x1C0B  }
0xe1: {  	[timem:s3], [sflag:s2] =	dma.local @!p0 [hbm:s0], s1  }
0xe2: {  	s0 =	simm.s32 @!p0 $0xB  }
0xe3: {  	_ =	swait.ge @!p0 [sflag:s0], s1  }
0xe4: {  	s1 =	ssub.s32 @!p0 $0x0, s1;
	[sflag:s0] =	ssyncset.done @!p0 $0x0  }
0xe5: {  	[sflag:s0] =	ssyncadd.s32 @!p0 s1  }
0xe6: {  	[bflag:$0x3] =	sbarrier.arrive $0xFFFF  }
0xe7: {  	_ =	shalt  }

</sc_bundles>
